<compile_context>
chip_gen: v7x
topology: tpu7x:2x2x1
jax: 0.10.2.dev20260603
libtpu: 0.0.44.dev20260713+nightly
codegen_flags: <defaults>
</compile_context>

<pallas_src>
import functools

import jax
import jax.numpy as jnp
from jax import lax
from jax.experimental import pallas as pl
from jax.experimental.pallas import tpu as pltpu
from jax.experimental.pallas import tpu_sc as plsc

N = 4096
S = 50
E = 64
H = 64
TOTAL = N * S

NC, NS = 2, 16
NW = NC * NS
ROWS_PER_W = TOTAL // NW
GROUP = 128
GROUPS = ROWS_PER_W // GROUP
GPC = 5
NCHUNK = GROUPS // GPC
CHUNK_ROWS = GPC * GROUP
EP = 128


def _make_gather():
  mesh = plsc.VectorSubcoreMesh(
      core_axis_name="c", subcore_axis_name="s",
      num_cores=NC, num_subcores=NS)

  @functools.partial(
      pl.kernel,
      mesh=mesh,
      out_type=jax.ShapeDtypeStruct((TOTAL, EP), jnp.float32),
      scratch_types=[
          pltpu.VMEM((GROUPS, GROUP), jnp.int32),
          pltpu.VMEM((GROUPS, GROUP), jnp.int32),
          pltpu.VMEM((CHUNK_ROWS, EP), jnp.float32),
          pltpu.SemaphoreType.DMA,
      ],
      compiler_params=pltpu.CompilerParams(use_tc_tiling_on_sc=True),
  )
  def gather(xflat_hbm, perm_hbm, table_hbm, out_hbm, perm_v, idx_v, rows_v,
             sem):
    wid = lax.axis_index("s") * NC + lax.axis_index("c")
    pltpu.sync_copy(perm_hbm.at[wid], perm_v)

    def idx_chunk(c, carry):
      for b in range(GPC):
        pltpu.make_async_copy(
            xflat_hbm.at[perm_v.at[c * GPC + b]],
            idx_v.at[c * GPC + b],
            sem).start()
      for b in range(GPC):
        pltpu.make_async_copy(
            xflat_hbm.at[perm_v.at[c * GPC + b]],
            idx_v.at[c * GPC + b],
            sem).wait()
      return carry

    lax.fori_loop(0, NCHUNK, idx_chunk, 0)

    def chunk_body(c, carry):
      for b in range(GPC):
        pltpu.make_async_copy(
            table_hbm.at[idx_v.at[c * GPC + b]],
            rows_v.at[pl.ds(b * GROUP, GROUP)],
            sem).start()
      for b in range(GPC):
        pltpu.make_async_copy(
            table_hbm.at[idx_v.at[c * GPC + b]],
            rows_v.at[pl.ds(b * GROUP, GROUP)],
            sem).wait()
      pltpu.sync_copy(
          rows_v,
          out_hbm.at[pl.ds(wid * ROWS_PER_W + c * CHUNK_ROWS, CHUNK_ROWS)])
      return carry

    lax.fori_loop(0, NCHUNK, chunk_body, 0)

  return gather


_gather_cache = []


def _get_gather():
  if not _gather_cache:
    _gather_cache.append(_make_gather())
  return _gather_cache[0]


def _lstm_body(x_ref, w_ref, b_ref, out_ref, h_s, c_s):
  t = pl.program_id(0)

  @pl.when(t == 0)
  def _():
    h_s[...] = jnp.zeros_like(h_s)
    c_s[...] = jnp.zeros_like(c_s)

  x = x_ref[0][:, :E]
  xh = jnp.concatenate([x, h_s[...]], axis=1)
  gates = jnp.dot(xh, w_ref[...],
                  preferred_element_type=jnp.float32) + b_ref[...]
  i = jax.nn.sigmoid(gates[:, 0 * H:1 * H])
  f = jax.nn.sigmoid(gates[:, 1 * H:2 * H])
  g = jnp.tanh(gates[:, 2 * H:3 * H])
  o = jax.nn.sigmoid(gates[:, 3 * H:4 * H])
  c = f * c_s[...] + i * g
  h = o * jnp.tanh(c)
  c_s[...] = c
  h_s[...] = h
  out_ref[0] = h.T


def _lstm(xs, w_cat, bias, interpret=False):
  return pl.pallas_call(
      _lstm_body,
      grid=(S,),
      in_specs=[
          pl.BlockSpec((1, N, EP), lambda t: (t, 0, 0)),
          pl.BlockSpec((2 * H, 4 * H), lambda t: (0, 0)),
          pl.BlockSpec((1, 4 * H), lambda t: (0, 0)),
      ],
      out_specs=pl.BlockSpec((1, H, N), lambda t: (t, 0, 0)),
      out_shape=jax.ShapeDtypeStruct((S, H, N), jnp.float32),
      scratch_shapes=[
          pltpu.VMEM((N, H), jnp.float32),
          pltpu.VMEM((N, H), jnp.float32),
      ],
      compiler_params=pltpu.CompilerParams(
          vmem_limit_bytes=100 * 1024 * 1024),
      interpret=interpret,
  )(xs, w_cat, bias)


VROWS = 1000004
VPADR = VROWS + 4
TBC = 32768
TGRID = (VROWS + TBC - 1) // TBC


def _tpad_body(x_ref, o_ref):
  y = x_ref[...].T
  o_ref[:, :E] = y
  o_ref[:, E:] = jnp.zeros_like(y)


def _transpose_pad(tt):
  return pl.pallas_call(
      _tpad_body,
      grid=(TGRID,),
      in_specs=[pl.BlockSpec((E, TBC), lambda c: (0, c))],
      out_specs=pl.BlockSpec((TBC, EP), lambda c: (c, 0)),
      out_shape=jax.ShapeDtypeStruct((VPADR, EP), jnp.float32),
      compiler_params=pltpu.CompilerParams(
          vmem_limit_bytes=100 * 1024 * 1024),
  )(tt)


def kernel(X, emb_table, W_ih, W_hh, b_ih, b_hh):
  w_cat = jnp.concatenate([W_ih.T, W_hh.T], axis=0)
  bias = (b_ih + b_hh)[None, :]
  r = jnp.arange(TOTAL, dtype=jnp.int32)
  perm = ((r & (N - 1)) * S + (r >> 12)).reshape(NW, GROUPS, GROUP)
  xflat = X.reshape(TOTAL)
  tblp = _transpose_pad(emb_table.T)
  wordemb = _get_gather()(xflat, perm, tblp)
  xs = wordemb.reshape(S, N, EP)
  out_thn = _lstm(xs, w_cat, bias)
  h = out_thn[S - 1].T[None]
  out = jnp.transpose(out_thn, (2, 0, 1))
  return (h, out)

# --- scband reference (transcript-rebuilt; emitter-appended) ---
"""Pipeline reference for scband-step-selector-encoder-68169720922926 (READ-ONLY COPY).

The authoritative reference and input builder live on the scoring server;
editing this copy changes nothing except your own understanding.
"""

import jax, jax.numpy as jnp
import numpy as np

NUM_BUCKETS = 1000000 + 4
EMB_SIZE = 64
HIDDEN_SIZE = 64


def setup_inputs(seed: int = 0) -> dict:
    key = jax.random.key(seed)
    k1, k2, k3, k4, k5, k6 = jax.random.split(key, 6)
    X = jax.random.randint(k1, (4096, 50), 0, NUM_BUCKETS, dtype=jnp.int64 if jax.config.jax_enable_x64 else jnp.int32).astype(jnp.int32)
    emb_table = jax.random.normal(k2, (NUM_BUCKETS, EMB_SIZE), dtype=jnp.float32)
    emb_table = emb_table.at[3].set(0.0)  # padding_idx=3
    bound = 1.0 / np.sqrt(HIDDEN_SIZE)
    W_ih = jax.random.uniform(k3, (4 * HIDDEN_SIZE, EMB_SIZE), minval=-bound, maxval=bound, dtype=jnp.float32)
    W_hh = jax.random.uniform(k4, (4 * HIDDEN_SIZE, HIDDEN_SIZE), minval=-bound, maxval=bound, dtype=jnp.float32)
    b_ih = jax.random.uniform(k5, (4 * HIDDEN_SIZE,), minval=-bound, maxval=bound, dtype=jnp.float32)
    b_hh = jax.random.uniform(k6, (4 * HIDDEN_SIZE,), minval=-bound, maxval=bound, dtype=jnp.float32)
    return {"X": X, "emb_table": emb_table, "W_ih": W_ih, "W_hh": W_hh, "b_ih": b_ih, "b_hh": b_hh}


def reference(X, emb_table, W_ih, W_hh, b_ih, b_hh):
    # Embedding lookup with padding_idx=3 (row forced to zero)
    emb_t = emb_table.at[3].set(0.0)
    wordemb = jnp.take(emb_t, X, axis=0)  # [N, S, E]
    N = wordemb.shape[0]
    H = W_hh.shape[1]

    def step(carry, x_t):
        h, c = carry
        gates = x_t @ W_ih.T + h @ W_hh.T + b_ih + b_hh  # [N, 4H]
        i, f, g, o = jnp.split(gates, 4, axis=-1)  # PyTorch gate order: i, f, g, o
        i = jax.nn.sigmoid(i)
        f = jax.nn.sigmoid(f)
        g = jnp.tanh(g)
        o = jax.nn.sigmoid(o)
        c = f * c + i * g
        h = o * jnp.tanh(c)
        return (h, c), h

    h0 = jnp.zeros((N, H), dtype=wordemb.dtype)
    c0 = jnp.zeros((N, H), dtype=wordemb.dtype)
    xs = jnp.transpose(wordemb, (1, 0, 2))  # [S, N, E]
    (h, c), outs = jax.lax.scan(step, (h0, c0), xs)
    out = jnp.transpose(outs, (1, 0, 2))  # [N, S, H]
    return (h[None, :, :], out)  # matches torch (h, out) with h: [1, N, H]

if __name__ == "__main__":
    import jax
    _d = setup_inputs()
    print(jax.jit(kernel)(*tuple(_d.values())))

</pallas_src>

<mosaic_0001>
#map = affine_map<(d0, d1) -> (0)>
#map1 = affine_map<(d0, d1) -> (0, 0, 0)>
#map2 = affine_map<(d0, d1) -> (0, 0)>
module attributes {stable_mosaic.version = 14 : i64} {
  func.func @gather(%arg0: i32, %arg1: i32, %arg2: memref<204800xi32, #tpu.memory_space<hbm>>, %arg3: memref<32x50x128xi32, #tpu.memory_space<hbm>>, %arg4: memref<1000008x128xf32, #tpu.memory_space<hbm>>, %arg5: memref<204800x128xf32, #tpu.memory_space<hbm>>, %arg6: memref<50x128xi32, #tpu.memory_space<vmem>>, %arg7: memref<50x128xi32, #tpu.memory_space<vmem>>, %arg8: memref<640x128xf32, #tpu.memory_space<vmem>>, %arg9: memref<!tpu.dma_semaphore, #tpu.memory_space<semaphore_mem>>) attributes {dimension_semantics = [#tpu.dimension_semantics<core_parallel>, #tpu.dimension_semantics<subcore_parallel>], iteration_bounds = array<i64: 2, 16>, scalar_prefetch = 0 : i64, scratch_operands = 4 : i64, tpu.core_type = #tpu.core_type<sc_vector_subcore>, window_params = [{transform_indices = #map}, {transform_indices = #map1}, {transform_indices = #map2}, {transform_indices = #map2}]} {
    %mul3A = arith.constant 2 : i32
    %mul3A_0 = arith.muli %arg1, %mul3A : i32
    %add3A = arith.addi %mul3A_0, %arg0 : i32
    "tpu.region"() ({
      %run_scoped3A = tpu.sem_alloc : memref<!tpu.dma_semaphore, #tpu.memory_space<semaphore_mem>>
      %dma_start3A = arith.constant 0 : i32
      %dma_start3A_12 = arith.constant 0 : i32
      %dma_start3A_13 = tpu.memref_slice %arg3[%add3A, %dma_start3A, %dma_start3A_12] : memref<32x50x128xi32, #tpu.memory_space<hbm>> -> memref<1x50x128xi32, #tpu.memory_space<hbm>>
      %dma_start3A_14 = tpu.memref_squeeze %dma_start3A_13 : memref<1x50x128xi32, #tpu.memory_space<hbm>> -> memref<50x128xi32, #tpu.memory_space<hbm>>
      %dma_start3A_15 = arith.constant 0 : i32
      %dma_start3A_16 = arith.constant 0 : i32
      %dma_start3A_17 = tpu.memref_slice %arg3[%add3A, %dma_start3A_15, %dma_start3A_16] : memref<32x50x128xi32, #tpu.memory_space<hbm>> -> memref<1x50x128xi32, #tpu.memory_space<hbm>>
      %dma_start3A_18 = tpu.memref_squeeze %dma_start3A_17 : memref<1x50x128xi32, #tpu.memory_space<hbm>> -> memref<50x128xi32, #tpu.memory_space<hbm>>
      tpu.enqueue_dma source(%dma_start3A_18 : memref<50x128xi32, #tpu.memory_space<hbm>>) target(%arg6 : memref<50x128xi32, #tpu.memory_space<vmem>>) target_semaphore(%run_scoped3A : memref<!tpu.dma_semaphore, #tpu.memory_space<semaphore_mem>>)
      %dma_wait3A = arith.constant 0 : i32
      %dma_wait3A_19 = arith.constant 0 : i32
      %dma_wait3A_20 = tpu.memref_slice %arg3[%add3A, %dma_wait3A, %dma_wait3A_19] : memref<32x50x128xi32, #tpu.memory_space<hbm>> -> memref<1x50x128xi32, #tpu.memory_space<hbm>>
      %dma_wait3A_21 = tpu.memref_squeeze %dma_wait3A_20 : memref<1x50x128xi32, #tpu.memory_space<hbm>> -> memref<50x128xi32, #tpu.memory_space<hbm>>
      %dma_wait3A_22 = arith.constant 0 : i32
      %dma_wait3A_23 = arith.constant 0 : i32
      %dma_wait3A_24 = tpu.memref_slice %arg3[%add3A, %dma_wait3A_22, %dma_wait3A_23] : memref<32x50x128xi32, #tpu.memory_space<hbm>> -> memref<1x50x128xi32, #tpu.memory_space<hbm>>
      %dma_wait3A_25 = tpu.memref_squeeze %dma_wait3A_24 : memref<1x50x128xi32, #tpu.memory_space<hbm>> -> memref<50x128xi32, #tpu.memory_space<hbm>>
      tpu.wait_dma2 semaphore(%run_scoped3A : memref<!tpu.dma_semaphore, #tpu.memory_space<semaphore_mem>>) src(%dma_wait3A_25 : memref<50x128xi32, #tpu.memory_space<hbm>>) dst(%arg6 : memref<50x128xi32, #tpu.memory_space<vmem>>)
      tpu.yield
    }) : () -> ()
    %scan3A = arith.constant 0 : i32
    %scan3A_1 = arith.constant 0 : i32
    %scan3A_2 = arith.constant 10 : i32
    %scan3A_3 = arith.addi %scan3A_1, %scan3A_2 : i32
    %scan3A_4 = arith.constant 1 : i32
    scf.for %scan3A_12 = %scan3A_1 to %scan3A_3 step %scan3A_4  : i32 {
      %mul3A_13 = arith.constant 5 : i32
      %mul3A_14 = arith.muli %scan3A_12, %mul3A_13 : i32
      %add3A_15 = arith.constant 0 : i32
      %add3A_16 = arith.addi %mul3A_14, %add3A_15 : i32
      %mul3A_17 = arith.constant 5 : i32
      %mul3A_18 = arith.muli %scan3A_12, %mul3A_17 : i32
      %add3A_19 = arith.constant 0 : i32
      %add3A_20 = arith.addi %mul3A_18, %add3A_19 : i32
      %dma_start3A = arith.constant 0 : i32
      %dma_start3A_21 = tpu.memref_slice %arg7[%add3A_20, %dma_start3A] : memref<50x128xi32, #tpu.memory_space<vmem>> -> memref<1x128xi32, #tpu.memory_space<vmem>>
      %dma_start3A_22 = tpu.memref_squeeze %dma_start3A_21 : memref<1x128xi32, #tpu.memory_space<vmem>> -> memref<128xi32, #tpu.memory_space<vmem>>
      %dma_start3A_23 = arith.constant 0 : i32
      %dma_start3A_24 = tpu.memref_slice %arg6[%add3A_16, %dma_start3A_23] : memref<50x128xi32, #tpu.memory_space<vmem>> -> memref<1x128xi32, #tpu.memory_space<vmem>>
      %dma_start3A_25 = tpu.memref_squeeze %dma_start3A_24 : memref<1x128xi32, #tpu.memory_space<vmem>> -> memref<128xi32, #tpu.memory_space<vmem>>
      %dma_start3A_26 = arith.constant 0 : i32
      %dma_start3A_27 = tpu.memref_slice %arg2[%dma_start3A_26] : memref<204800xi32, #tpu.memory_space<hbm>> -> memref<204800xi32, #tpu.memory_space<hbm>>
      tpu.enqueue_indirect_dma source(%dma_start3A_27 : memref<204800xi32, #tpu.memory_space<hbm>>) target(%dma_start3A_22 : memref<128xi32, #tpu.memory_space<vmem>>) offsets(%dma_start3A_25 : memref<128xi32, #tpu.memory_space<vmem>>) semaphore(%arg9 : memref<!tpu.dma_semaphore, #tpu.memory_space<semaphore_mem>>)
      %mul3A_28 = arith.constant 5 : i32
      %mul3A_29 = arith.muli %scan3A_12, %mul3A_28 : i32
      %add3A_30 = arith.constant 1 : i32
      %add3A_31 = arith.addi %mul3A_29, %add3A_30 : i32
      %mul3A_32 = arith.constant 5 : i32
      %mul3A_33 = arith.muli %scan3A_12, %mul3A_32 : i32
      %add3A_34 = arith.constant 1 : i32
      %add3A_35 = arith.addi %mul3A_33, %add3A_34 : i32
      %dma_start3A_36 = arith.constant 0 : i32
      %dma_start3A_37 = tpu.memref_slice %arg7[%add3A_35, %dma_start3A_36] : memref<50x128xi32, #tpu.memory_space<vmem>> -> memref<1x128xi32, #tpu.memory_space<vmem>>
      %dma_start3A_38 = tpu.memref_squeeze %dma_start3A_37 : memref<1x128xi32, #tpu.memory_space<vmem>> -> memref<128xi32, #tpu.memory_space<vmem>>
      %dma_start3A_39 = arith.constant 0 : i32
      %dma_start3A_40 = tpu.memref_slice %arg6[%add3A_31, %dma_start3A_39] : memref<50x128xi32, #tpu.memory_space<vmem>> -> memref<1x128xi32, #tpu.memory_space<vmem>>
      %dma_start3A_41 = tpu.memref_squeeze %dma_start3A_40 : memref<1x128xi32, #tpu.memory_space<vmem>> -> memref<128xi32, #tpu.memory_space<vmem>>
      %dma_start3A_42 = arith.constant 0 : i32
      %dma_start3A_43 = tpu.memref_slice %arg2[%dma_start3A_42] : memref<204800xi32, #tpu.memory_space<hbm>> -> memref<204800xi32, #tpu.memory_space<hbm>>
      tpu.enqueue_indirect_dma source(%dma_start3A_43 : memref<204800xi32, #tpu.memory_space<hbm>>) target(%dma_start3A_38 : memref<128xi32, #tpu.memory_space<vmem>>) offsets(%dma_start3A_41 : memref<128xi32, #tpu.memory_space<vmem>>) semaphore(%arg9 : memref<!tpu.dma_semaphore, #tpu.memory_space<semaphore_mem>>)
      %mul3A_44 = arith.constant 5 : i32
      %mul3A_45 = arith.muli %scan3A_12, %mul3A_44 : i32
      %add3A_46 = arith.constant 2 : i32
      %add3A_47 = arith.addi %mul3A_45, %add3A_46 : i32
      %mul3A_48 = arith.constant 5 : i32
      %mul3A_49 = arith.muli %scan3A_12, %mul3A_48 : i32
      %add3A_50 = arith.constant 2 : i32
      %add3A_51 = arith.addi %mul3A_49, %add3A_50 : i32
      %dma_start3A_52 = arith.constant 0 : i32
      %dma_start3A_53 = tpu.memref_slice %arg7[%add3A_51, %dma_start3A_52] : memref<50x128xi32, #tpu.memory_space<vmem>> -> memref<1x128xi32, #tpu.memory_space<vmem>>
      %dma_start3A_54 = tpu.memref_squeeze %dma_start3A_53 : memref<1x128xi32, #tpu.memory_space<vmem>> -> memref<128xi32, #tpu.memory_space<vmem>>
      %dma_start3A_55 = arith.constant 0 : i32
      %dma_start3A_56 = tpu.memref_slice %arg6[%add3A_47, %dma_start3A_55] : memref<50x128xi32, #tpu.memory_space<vmem>> -> memref<1x128xi32, #tpu.memory_space<vmem>>
      %dma_start3A_57 = tpu.memref_squeeze %dma_start3A_56 : memref<1x128xi32, #tpu.memory_space<vmem>> -> memref<128xi32, #tpu.memory_space<vmem>>
      %dma_start3A_58 = arith.constant 0 : i32
      %dma_start3A_59 = tpu.memref_slice %arg2[%dma_start3A_58] : memref<204800xi32, #tpu.memory_space<hbm>> -> memref<204800xi32, #tpu.memory_space<hbm>>
      tpu.enqueue_indirect_dma source(%dma_start3A_59 : memref<204800xi32, #tpu.memory_space<hbm>>) target(%dma_start3A_54 : memref<128xi32, #tpu.memory_space<vmem>>) offsets(%dma_start3A_57 : memref<128xi32, #tpu.memory_space<vmem>>) semaphore(%arg9 : memref<!tpu.dma_semaphore, #tpu.memory_space<semaphore_mem>>)
      %mul3A_60 = arith.constant 5 : i32
      %mul3A_61 = arith.muli %scan3A_12, %mul3A_60 : i32
      %add3A_62 = arith.constant 3 : i32
      %add3A_63 = arith.addi %mul3A_61, %add3A_62 : i32
      %mul3A_64 = arith.constant 5 : i32
      %mul3A_65 = arith.muli %scan3A_12, %mul3A_64 : i32
      %add3A_66 = arith.constant 3 : i32
      %add3A_67 = arith.addi %mul3A_65, %add3A_66 : i32
      %dma_start3A_68 = arith.constant 0 : i32
      %dma_start3A_69 = tpu.memref_slice %arg7[%add3A_67, %dma_start3A_68] : memref<50x128xi32, #tpu.memory_space<vmem>> -> memref<1x128xi32, #tpu.memory_space<vmem>>
      %dma_start3A_70 = tpu.memref_squeeze %dma_start3A_69 : memref<1x128xi32, #tpu.memory_space<vmem>> -> memref<128xi32, #tpu.memory_space<vmem>>
      %dma_start3A_71 = arith.constant 0 : i32
      %dma_start3A_72 = tpu.memref_slice %arg6[%add3A_63, %dma_start3A_71] : memref<50x128xi32, #tpu.memory_space<vmem>> -> memref<1x128xi32, #tpu.memory_space<vmem>>
      %dma_start3A_73 = tpu.memref_squeeze %dma_start3A_72 : memref<1x128xi32, #tpu.memory_space<vmem>> -> memref<128xi32, #tpu.memory_space<vmem>>
      %dma_start3A_74 = arith.constant 0 : i32
      %dma_start3A_75 = tpu.memref_slice %arg2[%dma_start3A_74] : memref<204800xi32, #tpu.memory_space<hbm>> -> memref<204800xi32, #tpu.memory_space<hbm>>
      tpu.enqueue_indirect_dma source(%dma_start3A_75 : memref<204800xi32, #tpu.memory_space<hbm>>) target(%dma_start3A_70 : memref<128xi32, #tpu.memory_space<vmem>>) offsets(%dma_start3A_73 : memref<128xi32, #tpu.memory_space<vmem>>) semaphore(%arg9 : memref<!tpu.dma_semaphore, #tpu.memory_space<semaphore_mem>>)
      %mul3A_76 = arith.constant 5 : i32
      %mul3A_77 = arith.muli %scan3A_12, %mul3A_76 : i32
      %add3A_78 = arith.constant 4 : i32
      %add3A_79 = arith.addi %mul3A_77, %add3A_78 : i32
      %mul3A_80 = arith.constant 5 : i32
      %mul3A_81 = arith.muli %scan3A_12, %mul3A_80 : i32
      %add3A_82 = arith.constant 4 : i32
      %add3A_83 = arith.addi %mul3A_81, %add3A_82 : i32
      %dma_start3A_84 = arith.constant 0 : i32
      %dma_start3A_85 = tpu.memref_slice %arg7[%add3A_83, %dma_start3A_84] : memref<50x128xi32, #tpu.memory_space<vmem>> -> memref<1x128xi32, #tpu.memory_space<vmem>>
      %dma_start3A_86 = tpu.memref_squeeze %dma_start3A_85 : memref<1x128xi32, #tpu.memory_space<vmem>> -> memref<128xi32, #tpu.memory_space<vmem>>
      %dma_start3A_87 = arith.constant 0 : i32
      %dma_start3A_88 = tpu.memref_slice %arg6[%add3A_79, %dma_start3A_87] : memref<50x128xi32, #tpu.memory_space<vmem>> -> memref<1x128xi32, #tpu.memory_space<vmem>>
      %dma_start3A_89 = tpu.memref_squeeze %dma_start3A_88 : memref<1x128xi32, #tpu.memory_space<vmem>> -> memref<128xi32, #tpu.memory_space<vmem>>
      %dma_start3A_90 = arith.constant 0 : i32
      %dma_start3A_91 = tpu.memref_slice %arg2[%dma_start3A_90] : memref<204800xi32, #tpu.memory_space<hbm>> -> memref<204800xi32, #tpu.memory_space<hbm>>
      tpu.enqueue_indirect_dma source(%dma_start3A_91 : memref<204800xi32, #tpu.memory_space<hbm>>) target(%dma_start3A_86 : memref<128xi32, #tpu.memory_space<vmem>>) offsets(%dma_start3A_89 : memref<128xi32, #tpu.memory_space<vmem>>) semaphore(%arg9 : memref<!tpu.dma_semaphore, #tpu.memory_space<semaphore_mem>>)
      %mul3A_92 = arith.constant 5 : i32
      %mul3A_93 = arith.muli %scan3A_12, %mul3A_92 : i32
      %add3A_94 = arith.constant 0 : i32
      %add3A_95 = arith.addi %mul3A_93, %add3A_94 : i32
      %mul3A_96 = arith.constant 5 : i32
      %mul3A_97 = arith.muli %scan3A_12, %mul3A_96 : i32
      %add3A_98 = arith.constant 0 : i32
      %add3A_99 = arith.addi %mul3A_97, %add3A_98 : i32
      %dma_wait3A = arith.constant 0 : i32
      %dma_wait3A_100 = tpu.memref_slice %arg7[%add3A_99, %dma_wait3A] : memref<50x128xi32, #tpu.memory_space<vmem>> -> memref<1x128xi32, #tpu.memory_space<vmem>>
      %dma_wait3A_101 = tpu.memref_squeeze %dma_wait3A_100 : memref<1x128xi32, #tpu.memory_space<vmem>> -> memref<128xi32, #tpu.memory_space<vmem>>
      %dma_wait3A_102 = arith.constant 0 : i32
      %dma_wait3A_103 = tpu.memref_slice %arg6[%add3A_95, %dma_wait3A_102] : memref<50x128xi32, #tpu.memory_space<vmem>> -> memref<1x128xi32, #tpu.memory_space<vmem>>
      %dma_wait3A_104 = tpu.memref_squeeze %dma_wait3A_103 : memref<1x128xi32, #tpu.memory_space<vmem>> -> memref<128xi32, #tpu.memory_space<vmem>>
      %dma_wait3A_105 = arith.constant 0 : i32
      %dma_wait3A_106 = tpu.memref_slice %arg2[%dma_wait3A_105] : memref<204800xi32, #tpu.memory_space<hbm>> -> memref<204800xi32, #tpu.memory_space<hbm>>
      tpu.wait_indirect_dma semaphore(%arg9 : memref<!tpu.dma_semaphore, #tpu.memory_space<semaphore_mem>>) src(%dma_wait3A_106 : memref<204800xi32, #tpu.memory_space<hbm>>) dst(%dma_wait3A_101 : memref<128xi32, #tpu.memory_space<vmem>>)
      %mul3A_107 = arith.constant 5 : i32
      %mul3A_108 = arith.muli %scan3A_12, %mul3A_107 : i32
      %add3A_109 = arith.constant 1 : i32
      %add3A_110 = arith.addi %mul3A_108, %add3A_109 : i32
      %mul3A_111 = arith.constant 5 : i32
      %mul3A_112 = arith.muli %scan3A_12, %mul3A_111 : i32
      %add3A_113 = arith.constant 1 : i32
      %add3A_114 = arith.addi %mul3A_112, %add3A_113 : i32
      %dma_wait3A_115 = arith.constant 0 : i32
      %dma_wait3A_116 = tpu.memref_slice %arg7[%add3A_114, %dma_wait3A_115] : memref<50x128xi32, #tpu.memory_space<vmem>> -> memref<1x128xi32, #tpu.memory_space<vmem>>
      %dma_wait3A_117 = tpu.memref_squeeze %dma_wait3A_116 : memref<1x128xi32, #tpu.memory_space<vmem>> -> memref<128xi32, #tpu.memory_space<vmem>>
      %dma_wait3A_118 = arith.constant 0 : i32
      %dma_wait3A_119 = tpu.memref_slice %arg6[%add3A_110, %dma_wait3A_118] : memref<50x128xi32, #tpu.memory_space<vmem>> -> memref<1x128xi32, #tpu.memory_space<vmem>>
      %dma_wait3A_120 = tpu.memref_squeeze %dma_wait3A_119 : memref<1x128xi32, #tpu.memory_space<vmem>> -> memref<128xi32, #tpu.memory_space<vmem>>
      %dma_wait3A_121 = arith.constant 0 : i32
      %dma_wait3A_122 = tpu.memref_slice %arg2[%dma_wait3A_121] : memref<204800xi32, #tpu.memory_space<hbm>> -> memref<204800xi32, #tpu.memory_space<hbm>>
      tpu.wait_indirect_dma semaphore(%arg9 : memref<!tpu.dma_semaphore, #tpu.memory_space<semaphore_mem>>) src(%dma_wait3A_122 : memref<204800xi32, #tpu.memory_space<hbm>>) dst(%dma_wait3A_117 : memref<128xi32, #tpu.memory_space<vmem>>)
      %mul3A_123 = arith.constant 5 : i32
      %mul3A_124 = arith.muli %scan3A_12, %mul3A_123 : i32
      %add3A_125 = arith.constant 2 : i32
      %add3A_126 = arith.addi %mul3A_124, %add3A_125 : i32
      %mul3A_127 = arith.constant 5 : i32
      %mul3A_128 = arith.muli %scan3A_12, %mul3A_127 : i32
      %add3A_129 = arith.constant 2 : i32
      %add3A_130 = arith.addi %mul3A_128, %add3A_129 : i32
      %dma_wait3A_131 = arith.constant 0 : i32
      %dma_wait3A_132 = tpu.memref_slice %arg7[%add3A_130, %dma_wait3A_131] : memref<50x128xi32, #tpu.memory_space<vmem>> -> memref<1x128xi32, #tpu.memory_space<vmem>>
      %dma_wait3A_133 = tpu.memref_squeeze %dma_wait3A_132 : memref<1x128xi32, #tpu.memory_space<vmem>> -> memref<128xi32, #tpu.memory_space<vmem>>
      %dma_wait3A_134 = arith.constant 0 : i32
      %dma_wait3A_135 = tpu.memref_slice %arg6[%add3A_126, %dma_wait3A_134] : memref<50x128xi32, #tpu.memory_space<vmem>> -> memref<1x128xi32, #tpu.memory_space<vmem>>
      %dma_wait3A_136 = tpu.memref_squeeze %dma_wait3A_135 : memref<1x128xi32, #tpu.memory_space<vmem>> -> memref<128xi32, #tpu.memory_space<vmem>>
      %dma_wait3A_137 = arith.constant 0 : i32
      %dma_wait3A_138 = tpu.memref_slice %arg2[%dma_wait3A_137] : memref<204800xi32, #tpu.memory_space<hbm>> -> memref<204800xi32, #tpu.memory_space<hbm>>
      tpu.wait_indirect_dma semaphore(%arg9 : memref<!tpu.dma_semaphore, #tpu.memory_space<semaphore_mem>>) src(%dma_wait3A_138 : memref<204800xi32, #tpu.memory_space<hbm>>) dst(%dma_wait3A_133 : memref<128xi32, #tpu.memory_space<vmem>>)
      %mul3A_139 = arith.constant 5 : i32
      %mul3A_140 = arith.muli %scan3A_12, %mul3A_139 : i32
      %add3A_141 = arith.constant 3 : i32
      %add3A_142 = arith.addi %mul3A_140, %add3A_141 : i32
      %mul3A_143 = arith.constant 5 : i32
      %mul3A_144 = arith.muli %scan3A_12, %mul3A_143 : i32
      %add3A_145 = arith.constant 3 : i32
      %add3A_146 = arith.addi %mul3A_144, %add3A_145 : i32
      %dma_wait3A_147 = arith.constant 0 : i32
      %dma_wait3A_148 = tpu.memref_slice %arg7[%add3A_146, %dma_wait3A_147] : memref<50x128xi32, #tpu.memory_space<vmem>> -> memref<1x128xi32, #tpu.memory_space<vmem>>
      %dma_wait3A_149 = tpu.memref_squeeze %dma_wait3A_148 : memref<1x128xi32, #tpu.memory_space<vmem>> -> memref<128xi32, #tpu.memory_space<vmem>>
      %dma_wait3A_150 = arith.constant 0 : i32
      %dma_wait3A_151 = tpu.memref_slice %arg6[%add3A_142, %dma_wait3A_150] : memref<50x128xi32, #tpu.memory_space<vmem>> -> memref<1x128xi32, #tpu.memory_space<vmem>>
      %dma_wait3A_152 = tpu.memref_squeeze %dma_wait3A_151 : memref<1x128xi32, #tpu.memory_space<vmem>> -> memref<128xi32, #tpu.memory_space<vmem>>
      %dma_wait3A_153 = arith.constant 0 : i32
      %dma_wait3A_154 = tpu.memref_slice %arg2[%dma_wait3A_153] : memref<204800xi32, #tpu.memory_space<hbm>> -> memref<204800xi32, #tpu.memory_space<hbm>>
      tpu.wait_indirect_dma semaphore(%arg9 : memref<!tpu.dma_semaphore, #tpu.memory_space<semaphore_mem>>) src(%dma_wait3A_154 : memref<204800xi32, #tpu.memory_space<hbm>>) dst(%dma_wait3A_149 : memref<128xi32, #tpu.memory_space<vmem>>)
      %mul3A_155 = arith.constant 5 : i32
      %mul3A_156 = arith.muli %scan3A_12, %mul3A_155 : i32
      %add3A_157 = arith.constant 4 : i32
      %add3A_158 = arith.addi %mul3A_156, %add3A_157 : i32
      %mul3A_159 = arith.constant 5 : i32
      %mul3A_160 = arith.muli %scan3A_12, %mul3A_159 : i32
      %add3A_161 = arith.constant 4 : i32
      %add3A_162 = arith.addi %mul3A_160, %add3A_161 : i32
      %dma_wait3A_163 = arith.constant 0 : i32
      %dma_wait3A_164 = tpu.memref_slice %arg7[%add3A_162, %dma_wait3A_163] : memref<50x128xi32, #tpu.memory_space<vmem>> -> memref<1x128xi32, #tpu.memory_space<vmem>>
      %dma_wait3A_165 = tpu.memref_squeeze %dma_wait3A_164 : memref<1x128xi32, #tpu.memory_space<vmem>> -> memref<128xi32, #tpu.memory_space<vmem>>
      %dma_wait3A_166 = arith.constant 0 : i32
      %dma_wait3A_167 = tpu.memref_slice %arg6[%add3A_158, %dma_wait3A_166] : memref<50x128xi32, #tpu.memory_space<vmem>> -> memref<1x128xi32, #tpu.memory_space<vmem>>
      %dma_wait3A_168 = tpu.memref_squeeze %dma_wait3A_167 : memref<1x128xi32, #tpu.memory_space<vmem>> -> memref<128xi32, #tpu.memory_space<vmem>>
      %dma_wait3A_169 = arith.constant 0 : i32
      %dma_wait3A_170 = tpu.memref_slice %arg2[%dma_wait3A_169] : memref<204800xi32, #tpu.memory_space<hbm>> -> memref<204800xi32, #tpu.memory_space<hbm>>
      tpu.wait_indirect_dma semaphore(%arg9 : memref<!tpu.dma_semaphore, #tpu.memory_space<semaphore_mem>>) src(%dma_wait3A_170 : memref<204800xi32, #tpu.memory_space<hbm>>) dst(%dma_wait3A_165 : memref<128xi32, #tpu.memory_space<vmem>>)
    }
    %scan3A_5 = arith.constant 10 : i32
    %scan3A_6 = arith.constant 0 : i32
    %scan3A_7 = arith.constant 0 : i32
    %scan3A_8 = arith.constant 10 : i32
    %scan3A_9 = arith.addi %scan3A_7, %scan3A_8 : i32
    %scan3A_10 = arith.constant 1 : i32
    scf.for %scan3A_12 = %scan3A_7 to %scan3A_9 step %scan3A_10  : i32 {
      %mul3A_13 = arith.constant 5 : i32
      %mul3A_14 = arith.muli %scan3A_12, %mul3A_13 : i32
      %add3A_15 = arith.constant 0 : i32
      %add3A_16 = arith.addi %mul3A_14, %add3A_15 : i32
      %dma_start3A = arith.constant 0 : i32
      %dma_start3A_17 = arith.constant 0 : i32
      %dma_start3A_18 = tpu.memref_slice %arg8[%dma_start3A, %dma_start3A_17] : memref<640x128xf32, #tpu.memory_space<vmem>> -> memref<128x128xf32, #tpu.memory_space<vmem>>
      %dma_start3A_19 = arith.constant 0 : i32
      %dma_start3A_20 = tpu.memref_slice %arg7[%add3A_16, %dma_start3A_19] : memref<50x128xi32, #tpu.memory_space<vmem>> -> memref<1x128xi32, #tpu.memory_space<vmem>>
      %dma_start3A_21 = tpu.memref_squeeze %dma_start3A_20 : memref<1x128xi32, #tpu.memory_space<vmem>> -> memref<128xi32, #tpu.memory_space<vmem>>
      %dma_start3A_22 = arith.constant 0 : i32
      %dma_start3A_23 = arith.constant 0 : i32
      %dma_start3A_24 = tpu.memref_slice %arg4[%dma_start3A_22, %dma_start3A_23] : memref<1000008x128xf32, #tpu.memory_space<hbm>> -> memref<1000008x128xf32, #tpu.memory_space<hbm>>
      tpu.enqueue_indirect_dma source(%dma_start3A_24 : memref<1000008x128xf32, #tpu.memory_space<hbm>>) target(%dma_start3A_18 : memref<128x128xf32, #tpu.memory_space<vmem>>) offsets(%dma_start3A_21 : memref<128xi32, #tpu.memory_space<vmem>>) semaphore(%arg9 : memref<!tpu.dma_semaphore, #tpu.memory_space<semaphore_mem>>)
      %mul3A_25 = arith.constant 5 : i32
      %mul3A_26 = arith.muli %scan3A_12, %mul3A_25 : i32
      %add3A_27 = arith.constant 1 : i32
      %add3A_28 = arith.addi %mul3A_26, %add3A_27 : i32
      %dma_start3A_29 = arith.constant 128 : i32
      %dma_start3A_30 = arith.constant 0 : i32
      %dma_start3A_31 = tpu.memref_slice %arg8[%dma_start3A_29, %dma_start3A_30] : memref<640x128xf32, #tpu.memory_space<vmem>> -> memref<128x128xf32, #tpu.memory_space<vmem>>
      %dma_start3A_32 = arith.constant 0 : i32
      %dma_start3A_33 = tpu.memref_slice %arg7[%add3A_28, %dma_start3A_32] : memref<50x128xi32, #tpu.memory_space<vmem>> -> memref<1x128xi32, #tpu.memory_space<vmem>>
      %dma_start3A_34 = tpu.memref_squeeze %dma_start3A_33 : memref<1x128xi32, #tpu.memory_space<vmem>> -> memref<128xi32, #tpu.memory_space<vmem>>
      %dma_start3A_35 = arith.constant 0 : i32
      %dma_start3A_36 = arith.constant 0 : i32
      %dma_start3A_37 = tpu.memref_slice %arg4[%dma_start3A_35, %dma_start3A_36] : memref<1000008x128xf32, #tpu.memory_space<hbm>> -> memref<1000008x128xf32, #tpu.memory_space<hbm>>
      tpu.enqueue_indirect_dma source(%dma_start3A_37 : memref<1000008x128xf32, #tpu.memory_space<hbm>>) target(%dma_start3A_31 : memref<128x128xf32, #tpu.memory_space<vmem>>) offsets(%dma_start3A_34 : memref<128xi32, #tpu.memory_space<vmem>>) semaphore(%arg9 : memref<!tpu.dma_semaphore, #tpu.memory_space<semaphore_mem>>)
      %mul3A_38 = arith.constant 5 : i32
      %mul3A_39 = arith.muli %scan3A_12, %mul3A_38 : i32
      %add3A_40 = arith.constant 2 : i32
      %add3A_41 = arith.addi %mul3A_39, %add3A_40 : i32
      %dma_start3A_42 = arith.constant 256 : i32
      %dma_start3A_43 = arith.constant 0 : i32
      %dma_start3A_44 = tpu.memref_slice %arg8[%dma_start3A_42, %dma_start3A_43] : memref<640x128xf32, #tpu.memory_space<vmem>> -> memref<128x128xf32, #tpu.memory_space<vmem>>
      %dma_start3A_45 = arith.constant 0 : i32
      %dma_start3A_46 = tpu.memref_slice %arg7[%add3A_41, %dma_start3A_45] : memref<50x128xi32, #tpu.memory_space<vmem>> -> memref<1x128xi32, #tpu.memory_space<vmem>>
      %dma_start3A_47 = tpu.memref_squeeze %dma_start3A_46 : memref<1x128xi32, #tpu.memory_space<vmem>> -> memref<128xi32, #tpu.memory_space<vmem>>
      %dma_start3A_48 = arith.constant 0 : i32
      %dma_start3A_49 = arith.constant 0 : i32
      %dma_start3A_50 = tpu.memref_slice %arg4[%dma_start3A_48, %dma_start3A_49] : memref<1000008x128xf32, #tpu.memory_space<hbm>> -> memref<1000008x128xf32, #tpu.memory_space<hbm>>
      tpu.enqueue_indirect_dma source(%dma_start3A_50 : memref<1000008x128xf32, #tpu.memory_space<hbm>>) target(%dma_start3A_44 : memref<128x128xf32, #tpu.memory_space<vmem>>) offsets(%dma_start3A_47 : memref<128xi32, #tpu.memory_space<vmem>>) semaphore(%arg9 : memref<!tpu.dma_semaphore, #tpu.memory_space<semaphore_mem>>)
      %mul3A_51 = arith.constant 5 : i32
      %mul3A_52 = arith.muli %scan3A_12, %mul3A_51 : i32
      %add3A_53 = arith.constant 3 : i32
      %add3A_54 = arith.addi %mul3A_52, %add3A_53 : i32
      %dma_start3A_55 = arith.constant 384 : i32
      %dma_start3A_56 = arith.constant 0 : i32
      %dma_start3A_57 = tpu.memref_slice %arg8[%dma_start3A_55, %dma_start3A_56] : memref<640x128xf32, #tpu.memory_space<vmem>> -> memref<128x128xf32, #tpu.memory_space<vmem>>
      %dma_start3A_58 = arith.constant 0 : i32
      %dma_start3A_59 = tpu.memref_slice %arg7[%add3A_54, %dma_start3A_58] : memref<50x128xi32, #tpu.memory_space<vmem>> -> memref<1x128xi32, #tpu.memory_space<vmem>>
      %dma_start3A_60 = tpu.memref_squeeze %dma_start3A_59 : memref<1x128xi32, #tpu.memory_space<vmem>> -> memref<128xi32, #tpu.memory_space<vmem>>
      %dma_start3A_61 = arith.constant 0 : i32
      %dma_start3A_62 = arith.constant 0 : i32
      %dma_start3A_63 = tpu.memref_slice %arg4[%dma_start3A_61, %dma_start3A_62] : memref<1000008x128xf32, #tpu.memory_space<hbm>> -> memref<1000008x128xf32, #tpu.memory_space<hbm>>
      tpu.enqueue_indirect_dma source(%dma_start3A_63 : memref<1000008x128xf32, #tpu.memory_space<hbm>>) target(%dma_start3A_57 : memref<128x128xf32, #tpu.memory_space<vmem>>) offsets(%dma_start3A_60 : memref<128xi32, #tpu.memory_space<vmem>>) semaphore(%arg9 : memref<!tpu.dma_semaphore, #tpu.memory_space<semaphore_mem>>)
      %mul3A_64 = arith.constant 5 : i32
      %mul3A_65 = arith.muli %scan3A_12, %mul3A_64 : i32
      %add3A_66 = arith.constant 4 : i32
      %add3A_67 = arith.addi %mul3A_65, %add3A_66 : i32
      %dma_start3A_68 = arith.constant 512 : i32
      %dma_start3A_69 = arith.constant 0 : i32
      %dma_start3A_70 = tpu.memref_slice %arg8[%dma_start3A_68, %dma_start3A_69] : memref<640x128xf32, #tpu.memory_space<vmem>> -> memref<128x128xf32, #tpu.memory_space<vmem>>
      %dma_start3A_71 = arith.constant 0 : i32
      %dma_start3A_72 = tpu.memref_slice %arg7[%add3A_67, %dma_start3A_71] : memref<50x128xi32, #tpu.memory_space<vmem>> -> memref<1x128xi32, #tpu.memory_space<vmem>>
      %dma_start3A_73 = tpu.memref_squeeze %dma_start3A_72 : memref<1x128xi32, #tpu.memory_space<vmem>> -> memref<128xi32, #tpu.memory_space<vmem>>
      %dma_start3A_74 = arith.constant 0 : i32
      %dma_start3A_75 = arith.constant 0 : i32
      %dma_start3A_76 = tpu.memref_slice %arg4[%dma_start3A_74, %dma_start3A_75] : memref<1000008x128xf32, #tpu.memory_space<hbm>> -> memref<1000008x128xf32, #tpu.memory_space<hbm>>
      tpu.enqueue_indirect_dma source(%dma_start3A_76 : memref<1000008x128xf32, #tpu.memory_space<hbm>>) target(%dma_start3A_70 : memref<128x128xf32, #tpu.memory_space<vmem>>) offsets(%dma_start3A_73 : memref<128xi32, #tpu.memory_space<vmem>>) semaphore(%arg9 : memref<!tpu.dma_semaphore, #tpu.memory_space<semaphore_mem>>)
      %mul3A_77 = arith.constant 5 : i32
      %mul3A_78 = arith.muli %scan3A_12, %mul3A_77 : i32
      %add3A_79 = arith.constant 0 : i32
      %add3A_80 = arith.addi %mul3A_78, %add3A_79 : i32
      %dma_wait3A = arith.constant 0 : i32
      %dma_wait3A_81 = arith.constant 0 : i32
      %dma_wait3A_82 = tpu.memref_slice %arg8[%dma_wait3A, %dma_wait3A_81] : memref<640x128xf32, #tpu.memory_space<vmem>> -> memref<128x128xf32, #tpu.memory_space<vmem>>
      %dma_wait3A_83 = arith.constant 0 : i32
      %dma_wait3A_84 = tpu.memref_slice %arg7[%add3A_80, %dma_wait3A_83] : memref<50x128xi32, #tpu.memory_space<vmem>> -> memref<1x128xi32, #tpu.memory_space<vmem>>
      %dma_wait3A_85 = tpu.memref_squeeze %dma_wait3A_84 : memref<1x128xi32, #tpu.memory_space<vmem>> -> memref<128xi32, #tpu.memory_space<vmem>>
      %dma_wait3A_86 = arith.constant 0 : i32
      %dma_wait3A_87 = arith.constant 0 : i32
      %dma_wait3A_88 = tpu.memref_slice %arg4[%dma_wait3A_86, %dma_wait3A_87] : memref<1000008x128xf32, #tpu.memory_space<hbm>> -> memref<1000008x128xf32, #tpu.memory_space<hbm>>
      tpu.wait_indirect_dma semaphore(%arg9 : memref<!tpu.dma_semaphore, #tpu.memory_space<semaphore_mem>>) src(%dma_wait3A_88 : memref<1000008x128xf32, #tpu.memory_space<hbm>>) dst(%dma_wait3A_82 : memref<128x128xf32, #tpu.memory_space<vmem>>)
      %mul3A_89 = arith.constant 5 : i32
      %mul3A_90 = arith.muli %scan3A_12, %mul3A_89 : i32
      %add3A_91 = arith.constant 1 : i32
      %add3A_92 = arith.addi %mul3A_90, %add3A_91 : i32
      %dma_wait3A_93 = arith.constant 128 : i32
      %dma_wait3A_94 = arith.constant 0 : i32
      %dma_wait3A_95 = tpu.memref_slice %arg8[%dma_wait3A_93, %dma_wait3A_94] : memref<640x128xf32, #tpu.memory_space<vmem>> -> memref<128x128xf32, #tpu.memory_space<vmem>>
      %dma_wait3A_96 = arith.constant 0 : i32
      %dma_wait3A_97 = tpu.memref_slice %arg7[%add3A_92, %dma_wait3A_96] : memref<50x128xi32, #tpu.memory_space<vmem>> -> memref<1x128xi32, #tpu.memory_space<vmem>>
      %dma_wait3A_98 = tpu.memref_squeeze %dma_wait3A_97 : memref<1x128xi32, #tpu.memory_space<vmem>> -> memref<128xi32, #tpu.memory_space<vmem>>
      %dma_wait3A_99 = arith.constant 0 : i32
      %dma_wait3A_100 = arith.constant 0 : i32
      %dma_wait3A_101 = tpu.memref_slice %arg4[%dma_wait3A_99, %dma_wait3A_100] : memref<1000008x128xf32, #tpu.memory_space<hbm>> -> memref<1000008x128xf32, #tpu.memory_space<hbm>>
      tpu.wait_indirect_dma semaphore(%arg9 : memref<!tpu.dma_semaphore, #tpu.memory_space<semaphore_mem>>) src(%dma_wait3A_101 : memref<1000008x128xf32, #tpu.memory_space<hbm>>) dst(%dma_wait3A_95 : memref<128x128xf32, #tpu.memory_space<vmem>>)
      %mul3A_102 = arith.constant 5 : i32
      %mul3A_103 = arith.muli %scan3A_12, %mul3A_102 : i32
      %add3A_104 = arith.constant 2 : i32
      %add3A_105 = arith.addi %mul3A_103, %add3A_104 : i32
      %dma_wait3A_106 = arith.constant 256 : i32
      %dma_wait3A_107 = arith.constant 0 : i32
      %dma_wait3A_108 = tpu.memref_slice %arg8[%dma_wait3A_106, %dma_wait3A_107] : memref<640x128xf32, #tpu.memory_space<vmem>> -> memref<128x128xf32, #tpu.memory_space<vmem>>
      %dma_wait3A_109 = arith.constant 0 : i32
      %dma_wait3A_110 = tpu.memref_slice %arg7[%add3A_105, %dma_wait3A_109] : memref<50x128xi32, #tpu.memory_space<vmem>> -> memref<1x128xi32, #tpu.memory_space<vmem>>
      %dma_wait3A_111 = tpu.memref_squeeze %dma_wait3A_110 : memref<1x128xi32, #tpu.memory_space<vmem>> -> memref<128xi32, #tpu.memory_space<vmem>>
      %dma_wait3A_112 = arith.constant 0 : i32
      %dma_wait3A_113 = arith.constant 0 : i32
      %dma_wait3A_114 = tpu.memref_slice %arg4[%dma_wait3A_112, %dma_wait3A_113] : memref<1000008x128xf32, #tpu.memory_space<hbm>> -> memref<1000008x128xf32, #tpu.memory_space<hbm>>
      tpu.wait_indirect_dma semaphore(%arg9 : memref<!tpu.dma_semaphore, #tpu.memory_space<semaphore_mem>>) src(%dma_wait3A_114 : memref<1000008x128xf32, #tpu.memory_space<hbm>>) dst(%dma_wait3A_108 : memref<128x128xf32, #tpu.memory_space<vmem>>)
      %mul3A_115 = arith.constant 5 : i32
      %mul3A_116 = arith.muli %scan3A_12, %mul3A_115 : i32
      %add3A_117 = arith.constant 3 : i32
      %add3A_118 = arith.addi %mul3A_116, %add3A_117 : i32
      %dma_wait3A_119 = arith.constant 384 : i32
      %dma_wait3A_120 = arith.constant 0 : i32
      %dma_wait3A_121 = tpu.memref_slice %arg8[%dma_wait3A_119, %dma_wait3A_120] : memref<640x128xf32, #tpu.memory_space<vmem>> -> memref<128x128xf32, #tpu.memory_space<vmem>>
      %dma_wait3A_122 = arith.constant 0 : i32
      %dma_wait3A_123 = tpu.memref_slice %arg7[%add3A_118, %dma_wait3A_122] : memref<50x128xi32, #tpu.memory_space<vmem>> -> memref<1x128xi32, #tpu.memory_space<vmem>>
      %dma_wait3A_124 = tpu.memref_squeeze %dma_wait3A_123 : memref<1x128xi32, #tpu.memory_space<vmem>> -> memref<128xi32, #tpu.memory_space<vmem>>
      %dma_wait3A_125 = arith.constant 0 : i32
      %dma_wait3A_126 = arith.constant 0 : i32
      %dma_wait3A_127 = tpu.memref_slice %arg4[%dma_wait3A_125, %dma_wait3A_126] : memref<1000008x128xf32, #tpu.memory_space<hbm>> -> memref<1000008x128xf32, #tpu.memory_space<hbm>>
      tpu.wait_indirect_dma semaphore(%arg9 : memref<!tpu.dma_semaphore, #tpu.memory_space<semaphore_mem>>) src(%dma_wait3A_127 : memref<1000008x128xf32, #tpu.memory_space<hbm>>) dst(%dma_wait3A_121 : memref<128x128xf32, #tpu.memory_space<vmem>>)
      %mul3A_128 = arith.constant 5 : i32
      %mul3A_129 = arith.muli %scan3A_12, %mul3A_128 : i32
      %add3A_130 = arith.constant 4 : i32
      %add3A_131 = arith.addi %mul3A_129, %add3A_130 : i32
      %dma_wait3A_132 = arith.constant 512 : i32
      %dma_wait3A_133 = arith.constant 0 : i32
      %dma_wait3A_134 = tpu.memref_slice %arg8[%dma_wait3A_132, %dma_wait3A_133] : memref<640x128xf32, #tpu.memory_space<vmem>> -> memref<128x128xf32, #tpu.memory_space<vmem>>
      %dma_wait3A_135 = arith.constant 0 : i32
      %dma_wait3A_136 = tpu.memref_slice %arg7[%add3A_131, %dma_wait3A_135] : memref<50x128xi32, #tpu.memory_space<vmem>> -> memref<1x128xi32, #tpu.memory_space<vmem>>
      %dma_wait3A_137 = tpu.memref_squeeze %dma_wait3A_136 : memref<1x128xi32, #tpu.memory_space<vmem>> -> memref<128xi32, #tpu.memory_space<vmem>>
      %dma_wait3A_138 = arith.constant 0 : i32
      %dma_wait3A_139 = arith.constant 0 : i32
      %dma_wait3A_140 = tpu.memref_slice %arg4[%dma_wait3A_138, %dma_wait3A_139] : memref<1000008x128xf32, #tpu.memory_space<hbm>> -> memref<1000008x128xf32, #tpu.memory_space<hbm>>
      tpu.wait_indirect_dma semaphore(%arg9 : memref<!tpu.dma_semaphore, #tpu.memory_space<semaphore_mem>>) src(%dma_wait3A_140 : memref<1000008x128xf32, #tpu.memory_space<hbm>>) dst(%dma_wait3A_134 : memref<128x128xf32, #tpu.memory_space<vmem>>)
      %mul3A_141 = arith.constant 6400 : i32
      %mul3A_142 = arith.muli %add3A, %mul3A_141 : i32
      %mul3A_143 = arith.constant 640 : i32
      %mul3A_144 = arith.muli %scan3A_12, %mul3A_143 : i32
      %add3A_145 = arith.addi %mul3A_142, %mul3A_144 : i32
      "tpu.region"() ({
        %run_scoped3A = tpu.sem_alloc : memref<!tpu.dma_semaphore, #tpu.memory_space<semaphore_mem>>
        %dma_start3A_146 = arith.constant 0 : i32
        %dma_start3A_147 = tpu.memref_slice %arg5[%add3A_145, %dma_start3A_146] : memref<204800x128xf32, #tpu.memory_space<hbm>> -> memref<640x128xf32, #tpu.memory_space<hbm>>
        %dma_start3A_148 = arith.constant 0 : i32
        %dma_start3A_149 = tpu.memref_slice %arg5[%add3A_145, %dma_start3A_148] : memref<204800x128xf32, #tpu.memory_space<hbm>> -> memref<640x128xf32, #tpu.memory_space<hbm>>
        tpu.enqueue_dma source(%arg8 : memref<640x128xf32, #tpu.memory_space<vmem>>) target(%dma_start3A_149 : memref<640x128xf32, #tpu.memory_space<hbm>>) target_semaphore(%run_scoped3A : memref<!tpu.dma_semaphore, #tpu.memory_space<semaphore_mem>>)
        %dma_wait3A_150 = arith.constant 0 : i32
        %dma_wait3A_151 = tpu.memref_slice %arg5[%add3A_145, %dma_wait3A_150] : memref<204800x128xf32, #tpu.memory_space<hbm>> -> memref<640x128xf32, #tpu.memory_space<hbm>>
        %dma_wait3A_152 = arith.constant 0 : i32
        %dma_wait3A_153 = tpu.memref_slice %arg5[%add3A_145, %dma_wait3A_152] : memref<204800x128xf32, #tpu.memory_space<hbm>> -> memref<640x128xf32, #tpu.memory_space<hbm>>
        tpu.wait_dma2 semaphore(%run_scoped3A : memref<!tpu.dma_semaphore, #tpu.memory_space<semaphore_mem>>) src(%arg8 : memref<640x128xf32, #tpu.memory_space<vmem>>) dst(%dma_wait3A_153 : memref<640x128xf32, #tpu.memory_space<hbm>>)
        tpu.yield
      }) : () -> ()
    }
    %scan3A_11 = arith.constant 10 : i32
    return
  }
}

module attributes {stable_mosaic.version = 14 : i64} {
  func.func @_tpad_body(%arg0: i32, %arg1: memref<64x32768xf32, #tpu.memory_space<vmem>>, %arg2: memref<32768x128xf32, #tpu.memory_space<vmem>>) attributes {dimension_semantics = [#tpu.dimension_semantics<arbitrary>], iteration_bounds = array<i64: 31>, scalar_prefetch = 0 : i64, scratch_operands = 0 : i64, tpu.core_type = #tpu.core_type<tc>, window_params = [{transform_indices = @transform_0, window_bounds = array<i64: 64, 32768>}, {transform_indices = @transform_1, window_bounds = array<i64: 32768, 128>}]} {
    %get3A = arith.constant 0 : index
    %get3A_0 = arith.constant 0 : index
    %get3A_1 = vector.load %arg1[%get3A, %get3A_0] : memref<64x32768xf32, #tpu.memory_space<vmem>>, vector<64x32768xf32>
    %transpose3A = tpu.transpose %get3A_1, [1, 0] : vector<64x32768xf32> -> vector<32768x64xf32>
    %swap3A = arith.constant 0 : index
    %swap3A_2 = arith.constant 0 : index
    %swap3A_3 = vector.load %arg2[%swap3A, %swap3A_2] : memref<32768x128xf32, #tpu.memory_space<vmem>>, vector<32768x64xf32>
    tpu.vector_store %arg2[%swap3A, %swap3A_2], %transpose3A {strides = array<i32>} : memref<32768x128xf32, #tpu.memory_space<vmem>>, vector<32768x64xf32>,
    %broadcast_in_dim3A = arith.constant 0.000000e+00 : f32
    %broadcast_in_dim3A_4 = vector.broadcast %broadcast_in_dim3A : f32 to vector<32768x64xf32>
    %swap3A_5 = arith.constant 0 : index
    %swap3A_6 = arith.constant 64 : index
    %swap3A_7 = vector.load %arg2[%swap3A_5, %swap3A_6] : memref<32768x128xf32, #tpu.memory_space<vmem>>, vector<32768x64xf32>
    tpu.vector_store %arg2[%swap3A_5, %swap3A_6], %broadcast_in_dim3A_4 {strides = array<i32>} : memref<32768x128xf32, #tpu.memory_space<vmem>>, vector<32768x64xf32>,
    return
  }
  func.func @transform_0(%arg0: i32) -> (i32, i32) {
    %c0_i32 = arith.constant 0 : i32
    %c0_i32_0 = arith.constant 0 : i32
    return %c0_i32, %arg0 : i32, i32
  }
  func.func @transform_1(%arg0: i32) -> (i32, i32) {
    %c0_i32 = arith.constant 0 : i32
    %c0_i32_0 = arith.constant 0 : i32
    return %arg0, %c0_i32 : i32, i32
  }
}

module attributes {stable_mosaic.version = 14 : i64} {
  func.func @_lstm_body(%arg0: i32, %arg1: memref<1x4096x128xf32, #tpu.memory_space<vmem>>, %arg2: memref<128x256xf32, #tpu.memory_space<vmem>>, %arg3: memref<1x256xf32, #tpu.memory_space<vmem>>, %arg4: memref<1x64x4096xf32, #tpu.memory_space<vmem>>, %arg5: memref<4096x64xf32, #tpu.memory_space<vmem>>, %arg6: memref<4096x64xf32, #tpu.memory_space<vmem>>) attributes {dimension_semantics = [#tpu.dimension_semantics<arbitrary>], iteration_bounds = array<i64: 50>, scalar_prefetch = 0 : i64, scratch_operands = 2 : i64, tpu.core_type = #tpu.core_type<tc>, window_params = [{transform_indices = @transform_0, window_bounds = array<i64: 1, 4096, 128>}, {pipeline_mode = #tpu.pipeline_mode<synchronous>, transform_indices = @transform_1, window_bounds = array<i64: 128, 256>}, {pipeline_mode = #tpu.pipeline_mode<synchronous>, transform_indices = @transform_2, window_bounds = array<i64: 1, 256>}, {transform_indices = @transform_3, window_bounds = array<i64: 1, 64, 4096>}]} {
    %eq3A = arith.constant 0 : i32
    %eq3A_0 = arith.cmpi eq, %arg0, %eq3A : i32
    %convert_element_type3A = arith.extui %eq3A_0 : i1 to i32
    %cond3A = arith.constant 0 : i32
    %cond3A_1 = arith.cmpi ne, %convert_element_type3A, %cond3A : i32
    scf.if %cond3A_1 {
      %broadcast_in_dim3A = arith.constant 0.000000e+00 : f32
      %broadcast_in_dim3A_56 = vector.broadcast %broadcast_in_dim3A : f32 to vector<4096x64xf32>
      %swap3A_57 = arith.constant 0 : index
      %swap3A_58 = arith.constant 0 : index
      %swap3A_59 = vector.load %arg5[%swap3A_57, %swap3A_58] : memref<4096x64xf32, #tpu.memory_space<vmem>>, vector<4096x64xf32>
      tpu.vector_store %arg5[%swap3A_57, %swap3A_58], %broadcast_in_dim3A_56 {strides = array<i32>} : memref<4096x64xf32, #tpu.memory_space<vmem>>, vector<4096x64xf32>,
      %broadcast_in_dim3A_60 = arith.constant 0.000000e+00 : f32
      %broadcast_in_dim3A_61 = vector.broadcast %broadcast_in_dim3A_60 : f32 to vector<4096x64xf32>
      %swap3A_62 = arith.constant 0 : index
      %swap3A_63 = arith.constant 0 : index
      %swap3A_64 = vector.load %arg6[%swap3A_62, %swap3A_63] : memref<4096x64xf32, #tpu.memory_space<vmem>>, vector<4096x64xf32>
      tpu.vector_store %arg6[%swap3A_62, %swap3A_63], %broadcast_in_dim3A_61 {strides = array<i32>} : memref<4096x64xf32, #tpu.memory_space<vmem>>, vector<4096x64xf32>,
    } else {
    }
    %get3A = arith.constant 0 : index
    %get3A_2 = arith.constant 0 : index
    %get3A_3 = arith.constant 0 : index
    %get3A_4 = vector.load %arg1[%get3A, %get3A_2, %get3A_3] : memref<1x4096x128xf32, #tpu.memory_space<vmem>>, vector<1x4096x128xf32>
    %get3A_5 = vector.shape_cast %get3A_4 : vector<1x4096x128xf32> to vector<4096x128xf32>
    %slice3A = vector.extract_strided_slice %get3A_5 {offsets = [0, 0], sizes = [4096, 64], strides = [1, 1]} : vector<4096x128xf32> to vector<4096x64xf32>
    %get3A_6 = arith.constant 0 : index
    %get3A_7 = arith.constant 0 : index
    %get3A_8 = vector.load %arg5[%get3A_6, %get3A_7] : memref<4096x64xf32, #tpu.memory_space<vmem>>, vector<4096x64xf32>
    %concatenate3A = tpu.concatenate %slice3A, %get3A_8 in 1 : vector<4096x64xf32>, vector<4096x64xf32> -> vector<4096x128xf32>
    %get3A_9 = arith.constant 0 : index
    %get3A_10 = arith.constant 0 : index
    %get3A_11 = vector.load %arg2[%get3A_9, %get3A_10] : memref<128x256xf32, #tpu.memory_space<vmem>>, vector<128x256xf32>
    %dot_general3A = arith.constant dense<0.000000e+00> : vector<4096x256xf32>
    %dot_general3A_12 = tpu.matmul %concatenate3A, %get3A_11, %dot_general3A {dimension_numbers = #tpu.dot_dimension_numbers<[1], [0], [0], [1], [0, 0, 1, 1], [], []>, transpose_lhs_hint = false} : vector<4096x128xf32>, vector<128x256xf32>, vector<4096x256xf32> -> vector<4096x256xf32>
    %get3A_13 = arith.constant 0 : index
    %get3A_14 = arith.constant 0 : index
    %get3A_15 = vector.load %arg3[%get3A_13, %get3A_14] : memref<1x256xf32, #tpu.memory_space<vmem>>, vector<1x256xf32>
    %add3A = vector.broadcast %get3A_15 : vector<1x256xf32> to vector<4096x256xf32>
    %add3A_16 = arith.addf %dot_general3A_12, %add3A : vector<4096x256xf32>
    %slice3A_17 = vector.extract_strided_slice %add3A_16 {offsets = [0, 0], sizes = [4096, 64], strides = [1, 1]} : vector<4096x256xf32> to vector<4096x64xf32>
    %logistic3A = arith.negf %slice3A_17 : vector<4096x64xf32>
    %logistic3A_18 = math.exp %logistic3A : vector<4096x64xf32>
    %logistic3A_19 = arith.constant 1.000000e+00 : f32
    %logistic3A_20 = vector.broadcast %logistic3A_19 : f32 to vector<4096x64xf32>
    %logistic3A_21 = arith.addf %logistic3A_20, %logistic3A_18 : vector<4096x64xf32>
    %logistic3A_22 = arith.divf %logistic3A_20, %logistic3A_21 : vector<4096x64xf32>
    %slice3A_23 = vector.extract_strided_slice %add3A_16 {offsets = [0, 64], sizes = [4096, 64], strides = [1, 1]} : vector<4096x256xf32> to vector<4096x64xf32>
    %logistic3A_24 = arith.negf %slice3A_23 : vector<4096x64xf32>
    %logistic3A_25 = math.exp %logistic3A_24 : vector<4096x64xf32>
    %logistic3A_26 = arith.constant 1.000000e+00 : f32
    %logistic3A_27 = vector.broadcast %logistic3A_26 : f32 to vector<4096x64xf32>
    %logistic3A_28 = arith.addf %logistic3A_27, %logistic3A_25 : vector<4096x64xf32>
    %logistic3A_29 = arith.divf %logistic3A_27, %logistic3A_28 : vector<4096x64xf32>
    %slice3A_30 = vector.extract_strided_slice %add3A_16 {offsets = [0, 128], sizes = [4096, 64], strides = [1, 1]} : vector<4096x256xf32> to vector<4096x64xf32>
    %tanh3A = math.tanh %slice3A_30 : vector<4096x64xf32>
    %slice3A_31 = vector.extract_strided_slice %add3A_16 {offsets = [0, 192], sizes = [4096, 64], strides = [1, 1]} : vector<4096x256xf32> to vector<4096x64xf32>
    %logistic3A_32 = arith.negf %slice3A_31 : vector<4096x64xf32>
    %logistic3A_33 = math.exp %logistic3A_32 : vector<4096x64xf32>
    %logistic3A_34 = arith.constant 1.000000e+00 : f32
    %logistic3A_35 = vector.broadcast %logistic3A_34 : f32 to vector<4096x64xf32>
    %logistic3A_36 = arith.addf %logistic3A_35, %logistic3A_33 : vector<4096x64xf32>
    %logistic3A_37 = arith.divf %logistic3A_35, %logistic3A_36 : vector<4096x64xf32>
    %get3A_38 = arith.constant 0 : index
    %get3A_39 = arith.constant 0 : index
    %get3A_40 = vector.load %arg6[%get3A_38, %get3A_39] : memref<4096x64xf32, #tpu.memory_space<vmem>>, vector<4096x64xf32>
    %mul3A = arith.mulf %logistic3A_29, %get3A_40 : vector<4096x64xf32>
    %mul3A_41 = arith.mulf %logistic3A_22, %tanh3A : vector<4096x64xf32>
    %add3A_42 = arith.addf %mul3A, %mul3A_41 : vector<4096x64xf32>
    %tanh3A_43 = math.tanh %add3A_42 : vector<4096x64xf32>
    %mul3A_44 = arith.mulf %logistic3A_37, %tanh3A_43 : vector<4096x64xf32>
    %swap3A = arith.constant 0 : index
    %swap3A_45 = arith.constant 0 : index
    %swap3A_46 = vector.load %arg6[%swap3A, %swap3A_45] : memref<4096x64xf32, #tpu.memory_space<vmem>>, vector<4096x64xf32>
    tpu.vector_store %arg6[%swap3A, %swap3A_45], %add3A_42 {strides = array<i32>} : memref<4096x64xf32, #tpu.memory_space<vmem>>, vector<4096x64xf32>,
    %swap3A_47 = arith.constant 0 : index
    %swap3A_48 = arith.constant 0 : index
    %swap3A_49 = vector.load %arg5[%swap3A_47, %swap3A_48] : memref<4096x64xf32, #tpu.memory_space<vmem>>, vector<4096x64xf32>
    tpu.vector_store %arg5[%swap3A_47, %swap3A_48], %mul3A_44 {strides = array<i32>} : memref<4096x64xf32, #tpu.memory_space<vmem>>, vector<4096x64xf32>,
    %transpose3A = tpu.transpose %mul3A_44, [1, 0] : vector<4096x64xf32> -> vector<64x4096xf32>
    %swap3A_50 = arith.constant 0 : index
    %swap3A_51 = arith.constant 0 : index
    %swap3A_52 = arith.constant 0 : index
    %swap3A_53 = vector.load %arg4[%swap3A_50, %swap3A_51, %swap3A_52] : memref<1x64x4096xf32, #tpu.memory_space<vmem>>, vector<1x64x4096xf32>
    %swap3A_54 = vector.shape_cast %swap3A_53 : vector<1x64x4096xf32> to vector<64x4096xf32>
    %swap3A_55 = vector.shape_cast %transpose3A : vector<64x4096xf32> to vector<1x64x4096xf32>
    tpu.vector_store %arg4[%swap3A_50, %swap3A_51, %swap3A_52], %swap3A_55 {strides = array<i32>} : memref<1x64x4096xf32, #tpu.memory_space<vmem>>, vector<1x64x4096xf32>,
    return
  }
  func.func @transform_0(%arg0: i32) -> (i32, i32, i32) {
    %c0_i32 = arith.constant 0 : i32
    %c0_i32_0 = arith.constant 0 : i32
    %c0_i32_1 = arith.constant 0 : i32
    return %arg0, %c0_i32, %c0_i32_0 : i32, i32, i32
  }
  func.func @transform_1(%arg0: i32) -> (i32, i32) {
    %c0_i32 = arith.constant 0 : i32
    %c0_i32_0 = arith.constant 0 : i32
    %c0_i32_1 = arith.constant 0 : i32
    return %c0_i32, %c0_i32_0 : i32, i32
  }
  func.func @transform_2(%arg0: i32) -> (i32, i32) {
    %c0_i32 = arith.constant 0 : i32
    %c0_i32_0 = arith.constant 0 : i32
    %c0_i32_1 = arith.constant 0 : i32
    return %c0_i32, %c0_i32_0 : i32, i32
  }
  func.func @transform_3(%arg0: i32) -> (i32, i32, i32) {
    %c0_i32 = arith.constant 0 : i32
    %c0_i32_0 = arith.constant 0 : i32
    %c0_i32_1 = arith.constant 0 : i32
    return %arg0, %c0_i32, %c0_i32_0 : i32, i32, i32
  }
}

</mosaic_0001>

<sc_bundles>
// kernel: kernel.5.cloned.1.call-start
scs
__scs_entry_jumppad:
0x0: {  	(pc) =	sbr.rel $0x88, $3  }
0x1: {  	(tag) =	ssettag $0x0;
	lr =	simm.s32 $0x1  }
0x2: {  	[smem:$0x3F9B] =	sst lr;
	_ =	strace $0xD0000000  }
0x3: {  	_ = 	snop  }
0x4: {  	_ = 	snop  }
0x5: {  	_ = 	snop  }
0x6: {  	_ = 	snop  }
0x7: {  	_ = 	snop  }
__scs_overlays_trampoline_lowered:
0x8: {  	[smem:$0x3FAA] =	sst s0  }
0x9: {  	[smem:$0x3FAB] =	sst s1  }
0xa: {  	[smem:$0x3FAC] =	sst s2  }
0xb: {  	[smem:$0x3FAD] =	sst s3  }
0xc: {  	[smem:$0x3FAE] =	sst s4  }
0xd: {  	[smem:$0x3FAF] =	sst s5  }
0xe: {  	[smem:$0x3FB0] =	sst s6  }
0xf: {  	[smem:$0x3FB1] =	sst s7  }
0x10: {  	[smem:$0x3FB2] =	sst s8  }
0x11: {  	[smem:$0x3FB3] =	sst s9;
	s0 =	simm.s32 @!p0 $0x0  }
0x12: {  	s1 =	sld [smem:$0x3F99];
	s0 =	simm.s32 @p0 $0x1  }
0x13: {  	[smem:$0x3FB4] =	sst s0;
	s0 =	simm.s32 @!p1 $0x0  }
0x14: {  	s2 =	sld [smem:$0x3F98];
	s0 =	simm.s32 @p1 $0x1  }
0x15: {  	[smem:$0x3FB5] =	sst s0;
	s0 =	simm.s32 @!p2 $0x0  }
0x16: {  	s3 =	sld [smem:$0x3FDB];
	s0 =	simm.s32 @p2 $0x1  }
0x17: {  	s4 =	simm.s32 $0x1BF5;
	[smem:$0x3FB7] =	sst s0  }
0x18: {  	s0 =	sld [smem:$0x3F9A];
	_ =	swait.ge [sflag:s4], $0x0  }
0x19: {  	s7 =	sld [smem:$0x3F9B]  }
0x1a: {  	s8 =	sadd.s32 $0xFFFFE003, lr  }
0x1b: {  	s9 =	sadd.s32 $0xFFFFFEF7, lr;
	s5 =	simm.s32 $0xFFFFFFFF;
	p2 =	slt.u32 s8, $0xFFFFF086  }
0x1c: {  	p1 =	slt.u32 s9, $0xF7A;
	s5 =	simm.s32 @!p2 $0x0  }
0x1d: {  	s5 =	simm.s32 @p1 $0x1;
	p0 =	seq.s32 s7, s2  }
0x1e: {  	s7 =	smul.u32 @!p0 $0xF7A, s2;
	p2 =	seq.s32 @!p0 s5, $0x0  }
0x1f: {  	s9 =	smul.u32 $0xF7A, s1;
	s8 =	simm.s32 @!p0 $0x1BF5;
	p2 =	por !p2, p0  }
0x20: {  	[sflag:s8] =	ssyncset.s32 @!p0 $0xFFFFF086;
	s6 =	sadd.s32 @!p0 s3, s7;
	s7 =	simm.s32 @!p0 $0x108  }
0x21: {  	s3 =	sadd.s32 s3, s9;
	s6 =	sadd.s32 @!p0 $0x88, s6;
	s7 =	simm.s32 @p2 $0x1082  }
0x22: {  	[simem:s7], [sflag:s8] =	dma.local @!p0 [hbm:s6], $0xF7A  }
0x23: {  	s9 =	sor.u32 $0xD0000000, s2;
	s6 =	simm.s32 $0x108;
	_ =	swait.ge @!p0 [sflag:s8], $0x0  }
0x24: {  	s3 =	sadd.s32 $0x88, s3;
	s6 =	simm.s32 @!p1 $0x1082;
	[sflag:s4] =	ssyncset.s32 $0xFFFFF086  }
0x25: {  	[simem:s6], [sflag:s4] =	dma.local [hbm:s3], $0xF7A  }
0x26: {  	[smem:$0x3F9B] =	sst s1;
	(tag) =	ssettag s2;
	_ =	strace s9  }
0x27: {  	s1 =	sld [smem:$0x3FAB]  }
0x28: {  	s2 =	sld [smem:$0x3FAC]  }
0x29: {  	s4 =	sld [smem:$0x3FAE]  }
0x2a: {  	p0 =	seq.s32 s5, $0x0;
	s5 =	sld [smem:$0x3FAF]  }
0x2b: {  	s6 =	sld [smem:$0x3FB0]  }
0x2c: {  	s7 =	sld [smem:$0x3FB1]  }
0x2d: {  	s3 =	simm.s32 $0x108;
	s8 =	sld [smem:$0x3FB2]  }
0x2e: {  	s3 =	simm.s32 @!p0 $0x1082;
	s9 =	sld [smem:$0x3FB3]  }
0x2f: {  	lr =	sadd.s32 s0, s3;
	s0 =	sld [smem:$0x3FAA]  }
0x30: {  	s3 =	sld [smem:$0x3FAD]  }
0x31: {  	[smem:$0x3FB6] =	sst s10  }
0x32: {  	s10 =	sld [smem:$0x3FB4];
	_ =	sdelay $0x3  }
0x33: {  	p0 =	seq.s32 s10, $0x1;
	s10 =	sld [smem:$0x3FB6];
	_ =	sdelay $0x3  }
0x34: {  	[smem:$0x3FB6] =	sst s10  }
0x35: {  	s10 =	sld [smem:$0x3FB5];
	_ =	sdelay $0x3  }
0x36: {  	p1 =	seq.s32 s10, $0x1;
	s10 =	sld [smem:$0x3FB6];
	_ =	sdelay $0x3  }
0x37: {  	[smem:$0x3FB6] =	sst s10  }
0x38: {  	s10 =	sld [smem:$0x3FB7]  }
0x39: {  	_ = 	snop;
	(pc) =	sbr.ind lr, $3  }
0x3a: {  	_ = 	snop  }
0x3b: {  	_ = 	snop  }
0x3c: {  	p2 =	seq.s32 s10, $0x1;
	s10 =	sld [smem:$0x3FB6]  }
0x3d: {  	_ =	shalt  }
0x3e: {  	_ =	shalt  }
0x3f: {  	_ =	shalt  }
0x40: {  	_ =	shalt  }
0x41: {  	_ =	shalt  }
0x42: {  	_ =	shalt  }
0x43: {  	_ =	shalt  }
0x44: {  	_ =	shalt  }
0x45: {  	_ =	shalt  }
0x46: {  	_ =	shalt  }
0x47: {  	_ =	shalt  }
0x48: {  	_ =	shalt  }
0x49: {  	_ =	shalt  }
0x4a: {  	_ =	shalt  }
0x4b: {  	_ =	shalt  }
0x4c: {  	_ =	shalt  }
0x4d: {  	_ =	shalt  }
0x4e: {  	_ =	shalt  }
0x4f: {  	_ =	shalt  }
0x50: {  	_ =	shalt  }
0x51: {  	_ =	shalt  }
0x52: {  	_ =	shalt  }
0x53: {  	_ =	shalt  }
0x54: {  	_ =	shalt  }
0x55: {  	_ =	shalt  }
0x56: {  	_ =	shalt  }
0x57: {  	_ =	shalt  }
0x58: {  	_ =	shalt  }
0x59: {  	_ =	shalt  }
0x5a: {  	_ =	shalt  }
0x5b: {  	_ =	shalt  }
0x5c: {  	_ =	shalt  }
0x5d: {  	_ =	shalt  }
0x5e: {  	_ =	shalt  }
0x5f: {  	_ =	shalt  }
0x60: {  	_ =	shalt  }
0x61: {  	_ =	shalt  }
0x62: {  	_ =	shalt  }
0x63: {  	_ =	shalt  }
0x64: {  	_ =	shalt  }
0x65: {  	_ =	shalt  }
0x66: {  	_ =	shalt  }
0x67: {  	_ =	shalt  }
0x68: {  	_ =	shalt  }
0x69: {  	_ =	shalt  }
0x6a: {  	_ =	shalt  }
0x6b: {  	_ =	shalt  }
0x6c: {  	_ =	shalt  }
0x6d: {  	_ =	shalt  }
0x6e: {  	_ =	shalt  }
0x6f: {  	_ =	shalt  }
0x70: {  	_ =	shalt  }
0x71: {  	_ =	shalt  }
0x72: {  	_ =	shalt  }
0x73: {  	_ =	shalt  }
0x74: {  	_ =	shalt  }
0x75: {  	_ =	shalt  }
0x76: {  	_ =	shalt  }
0x77: {  	_ =	shalt  }
0x78: {  	_ =	shalt  }
0x79: {  	_ =	shalt  }
0x7a: {  	_ =	shalt  }
0x7b: {  	_ =	shalt  }
0x7c: {  	_ =	shalt  }
0x7d: {  	_ =	shalt  }
0x7e: {  	_ =	shalt  }
0x7f: {  	_ =	shalt  }
0x80: {  	_ =	shalt  }
0x81: {  	_ =	shalt  }
0x82: {  	_ =	shalt  }
0x83: {  	_ =	shalt  }
0x84: {  	_ =	shalt  }
0x85: {  	_ =	shalt  }
0x86: {  	_ =	shalt  }
0x87: {  	_ =	shalt  }
.Lfunc_end0:
.L_simem_size_0:
called_computation_lowered:
.L_overlay_start_0:
0x88: {  	s2 =	sld [smem:$0x3FD9]  }
0x89: {  	s3 =	sld [smem:$0x3FFE];
	_ =	sdelay $0x1  }
0x8a: {  	s1 =	srdreg.scid  }
0x8b: {  	s0 =	sand.u32 $0x1, s1  }
0x8c: {  	s14 =	sshll.u32 s0, $0xA;
	s2 =	sadd.s32 s3, s2  }
0x8d: {  	s2 =	sadd.s32 s2, s14  }
0x8e: {  	[smem:$0x3FC2] =	sst s2  }
0x8f: {  	_ = 	snop  }
0x90: {  	s2 =	sld [smem:$0x3FD0];
	_ =	sdelay $0x2  }
0x91: {  	s15 =	simm.s32 $0xA;
	s4 =	simm.s32 $0x10  }
0x92: {  	[smem:s4], [sflag:s15] =	dma.local [hbm:s2], $0x1  }
0x93: {  	_ =	swait.eq [sflag:s15], $0x1  }
0x94: {  	[sflag:s15] =	ssyncset.done $0x0  }
0x95: {  	s16 =	sld [smem:$0x10];
	[sflag:s15] =	ssyncadd.s32 $0xFFFFFFFF  }
0x96: {  	s17 =	sld [smem:$0x11];
	(tm) =	ssettm $0x1  }
0x97: {  	s18 =	sld [smem:$0x3FFB];
	_ =	sdelay $0x3  }
0x98: {  	_ =	strace s18  }
0x99: {  	s4 =	sld [smem:$0x3FFC];
	_ =	sdelay $0x3  }
0x9a: {  	_ =	strace s4  }
0x9b: {  	s4 =	sld [smem:$0x3FFD];
	_ =	sdelay $0x3  }
0x9c: {  	_ =	strace s4  }
0x9d: {  	_ =	strace $0x8FFFFFFF  }
0x9e: {  	s19 =	sld [smem:$0x3FDB];
	_ =	sdelay $0x1  }
0x9f: {  	s5 =	simm.s32 $_scs_section_size  }
0xa0: {  	s6 =	simm.s32 $_size__tile_overlayer_lowered;
	s7 =	simm.s32 $_tile_overlayer_lowered  }
0xa1: {  	s22 =	simm.s32 $0x1BFF;
	s21 =	sshll.u32 s7, $0x1;
	s4 =	sadd.s32 s5, s19  }
0xa2: {  	s8 =	simm.s32 $0x0;
	s20 =	sshll.u32 s6, $0x1;
	s6 =	sadd.s32 s21, s4  }
0xa3: {  	[timem:s8], [sflag:s22] =	dma.local [hbm:s6], s20  }
0xa4: {  	_ =	swait.ge [sflag:s22], s20  }
0xa5: {  	s5 =	ssub.s32 $0x0, s20;
	[sflag:s22] =	ssyncset.done $0x0  }
0xa6: {  	[sflag:s22] =	ssyncadd.s32 s5;
	_ =	sdelay $0x1  }
0xa7: {  	s23 =	simm.s32 $0x1B8B  }
0xa8: {  	_ =	swait.ge [sflag:s23], $0x1  }
0xa9: {  	[sflag:s23] =	ssyncset.done $0x0  }
0xaa: {  	s25 =	simm.s32 $0x1B8E;
	s24 =	sld [smem:$0x3FFE];
	[sflag:s23] =	ssyncadd.s32 $0xFFFFFFFF  }
0xab: {  	s26 =	simm.s32 $execute0_lowered;
	[smem:$0x3FD2] =	sst s25  }
0xac: {  	s6 =	sshll.u32 s26, $0x1;
	_ =	strace $0x80000046;
	[dreg:$0x1] =	wrdreg $0xFFFFFFFF  }
0xad: {  	s28 =	simm.s32 $_size_execute0_lowered;
	s4 =	sadd.s32 s4, s6;
	[dreg:$0x0] =	wrdreg $0x0  }
0xae: {  	s6 =	sshll.u32 s28, $0x1;
	[dreg:$0x2] =	wrdreg s4  }
0xaf: {  	[dreg:$0x3] =	wrdreg s6  }
0xb0: {  	[dreg:$0x4] =	wrdreg $0xC0  }
0xb1: {  	_ =	task [dreg:s8], $0x5FFFF  }
0xb2: {  	[dreg:$0x1] =	wrdreg $0xFFFFFFFF  }
0xb3: {  	[dreg:$0x0] =	wrdreg $0x60  }
0xb4: {  	[dreg:$0x2] =	wrdreg s17  }
0xb5: {  	[dreg:$0x3] =	wrdreg s16  }
0xb6: {  	[dreg:$0x4] =	wrdreg s24  }
0xb7: {  	[dreg:$0x5] =	wrdreg $0x9  }
0xb8: {  	_ =	task.clear_ibuf [dreg:s8], $0x6FFFF;
	_ =	strace $0x90000046  }
0xb9: {  	s29 =	simm.s32 $0x9;
	_ =	strace $0x80000048  }
0xba: {  	_ =	swait.ge [sflag:s29], $0x1  }
0xbb: {  	[sflag:s29] =	ssyncadd.s32 $0xFFFFFFFF  }
0xbc: {  	_ =	strace $0x90000048  }
0xbd: {  	_ =	sfence  }
0xbe: {  	s30 =	sld [smem:$0x0];
	_ =	sdelay $0x2  }
0xbf: {  	s31 =	sshll.u32 s1, $0xD;
	s1 =	sshrl.u32 s1, $0x2  }
0xc0: {  	s3 =	sand.u32 $0x4000, s31;
	s1 =	sadd.s32 s1, s30  }
0xc1: {  	s0 =	sor.u32 s3, s0;
	s1 =	sshll.u32 s1, $0x11  }
0xc2: {  	s0 =	sor.u32 s1, s0  }
0xc3: {  	s0 =	sadd.s32 $0x8F2B, s0  }
0xc4: {  	[sflag:s0] =	ssyncadd.remote.s32 $0x1  }
0xc5: {  	_ =	sfence.sel $0xFFFF  }
0xc6: {  	[dreg:$0x0] =	wrdreg $0xFFFFFFFF;
	(pc) =	sbr.abs _section_cstart, $3  }
0xc7: {  	[dreg:$0x1] =	wrdreg $0xFFFFFFFF  }
0xc8: {  	_ =	task.clear_ibuf [dreg:s8], $0x2FFFF;
	_ =	strace $0x9FFFFFFF  }
0xc9: {  	(tm) =	ssettm $0x7FFFFFFF  }
tec
execute0_lowered:
.L_overlay_start_1:
0x0: {  	(tag) =	ssettag $0x1  }
0x1: {  	s2 =	rddreg [dreg:$0x0]  }
0x2: {  	s0 =	rddreg [dreg:$0x1]  }
0x3: {  	s1 =	rddreg [dreg:$0x2]  }
0x4: {  	s6 =	stileid.u32;
	s3 =	srdreg.scid;
	s18 =	simm.s32 $0x1  }
0x5: {  	s10 =	simm.s32 $0x1680;
	s11 =	simm.s32 $0x3280;
	s12 =	simm.s32 $0x1700  }
0x6: {  	s13 =	simm.s32 $0x3300;
	s14 =	simm.s32 $0x1780;
	s15 =	simm.s32 $0x3380  }
0x7: {  	s16 =	simm.s32 $0x1800;
	s17 =	simm.s32 $0x3400;
	s19 =	simm.s32 $0x1880  }
0x8: {  	s20 =	simm.s32 $0x3480;
	s21 =	simm.s32 $0x3800;
	s22 =	simm.s32 $0x7800  }
0x9: {  	s23 =	simm.s32 $0xB800;
	s24 =	simm.s32 $0xF800;
	s25 =	simm.s32 $0x13800  }
0xa: {  	s26 =	simm.s32 $0x0;
	s4 =	sand.u32 $0x1, s3;
	s5 =	sshll.u32 s6, $0x1  }
0xb: {  	s3 =	simm.s32 $0x0;
	s6 =	smul.u32 $0x32000, s6;
	s5 =	sor.u32 s4, s5  }
0xc: {  	[smem:$0x7FF] =	sst s3;
	s7 =	ssub.s32 $0x2, s4;
	s9 =	smul.u32 $0x19000, s4  }
0xd: {  	s4 =	sadd.s32 $0xC00, s1;
	s5 =	smul.u32 $0x380, s5;
	s8 =	sshrl.u32 s7, $0x1  }
0xe: {  	_ =	strace $0x80000047;
	s1 =	sadd.s32 s6, s1;
	s30 =	ssub.s32 s7, s8  }
0xf: {  	s31 =	sadd.s32 s9, s1;
	s8 =	simm.s32 $0x2;
	s9 =	simm.s32 $0x80  }
0x10: {  	s5 =	sadd.s32 s0, s5;
	s6 =	smax.u32 s30, $0x1;
	s7 =	sadd.s32 $0xF43200, s31  }
.LBB2_1:
0x11: {  	[tilespmem:s3], [sflag:$0x2] =	stream.linear.gather [hbm4b:s5+s3], $0x1900, $0x38;
	[tilespmem:$0x17800] =	vst v63  }
0x12: {  	_ =	swait.ge [sflag:s8], $0x1900  }
0x13: {  	[sflag:s8] =	ssyncset.done $0x0  }
0x14: {  	s0 =	simm.s32 $0x1C00;
	[sflag:s8] =	ssyncadd.s32 $0xFFFFE700  }
0x15: {  	[tilespmem:s0], [sflag:$0x1] =	stream.indirect.gather [hbm4b:s2+s9], $0x1, s3, s9, $0xb8;
	[tilespmem:$0x17800] =	vst v63  }
0x16: {  	s1 =	simm.s32 $0x1C80  }
0x17: {  	[tilespmem:s1], [sflag:$0x1] =	stream.indirect.gather [hbm4b:s2+s9], $0x1, s9, s9, $0xb8;
	[tilespmem:$0x17800] =	vst v63  }
0x18: {  	s31 =	simm.s32 $0x100;
	s1 =	simm.s32 $0x1D00  }
0x19: {  	[tilespmem:s1], [sflag:$0x1] =	stream.indirect.gather [hbm4b:s2+s9], $0x1, s31, s9, $0xb8;
	[tilespmem:$0x17800] =	vst v63  }
0x1a: {  	s1 =	simm.s32 $0x180;
	s31 =	simm.s32 $0x1D80  }
0x1b: {  	[tilespmem:s31], [sflag:$0x1] =	stream.indirect.gather [hbm4b:s2+s9], $0x1, s1, s9, $0xb8;
	[tilespmem:$0x17800] =	vst v63  }
0x1c: {  	s1 =	simm.s32 $0x200;
	s31 =	simm.s32 $0x1E00  }
0x1d: {  	[tilespmem:s31], [sflag:$0x1] =	stream.indirect.gather [hbm4b:s2+s9], $0x1, s1, s9, $0xb8;
	[tilespmem:$0x17800] =	vst v63  }
0x1e: {  	_ =	swait.ge [sflag:s18], $0x80  }
0x1f: {  	[sflag:s18] =	ssyncset.done $0x0  }
0x20: {  	[sflag:s18] =	ssyncadd.s32 $0xFFFFFF80  }
0x21: {  	_ =	swait.ge [sflag:s18], $0x80  }
0x22: {  	[sflag:s18] =	ssyncset.done $0x0  }
0x23: {  	[sflag:s18] =	ssyncadd.s32 $0xFFFFFF80  }
0x24: {  	_ =	swait.ge [sflag:s18], $0x80  }
0x25: {  	[sflag:s18] =	ssyncset.done $0x0  }
0x26: {  	[sflag:s18] =	ssyncadd.s32 $0xFFFFFF80  }
0x27: {  	_ =	swait.ge [sflag:s18], $0x80  }
0x28: {  	[sflag:s18] =	ssyncset.done $0x0  }
0x29: {  	[sflag:s18] =	ssyncadd.s32 $0xFFFFFF80  }
0x2a: {  	_ =	swait.ge [sflag:s18], $0x80  }
0x2b: {  	[sflag:s18] =	ssyncset.done $0x0  }
0x2c: {  	s1 =	simm.s32 $0x280;
	s31 =	simm.s32 $0x1E80;
	[sflag:s18] =	ssyncadd.s32 $0xFFFFFF80  }
0x2d: {  	[tilespmem:s31], [sflag:$0x1] =	stream.indirect.gather [hbm4b:s2+s9], $0x1, s1, s9, $0xb8;
	[tilespmem:$0x17800] =	vst v63  }
0x2e: {  	s1 =	simm.s32 $0x300;
	s31 =	simm.s32 $0x1F00  }
0x2f: {  	[tilespmem:s31], [sflag:$0x1] =	stream.indirect.gather [hbm4b:s2+s9], $0x1, s1, s9, $0xb8;
	[tilespmem:$0x17800] =	vst v63  }
0x30: {  	s1 =	simm.s32 $0x380;
	s31 =	simm.s32 $0x1F80  }
0x31: {  	[tilespmem:s31], [sflag:$0x1] =	stream.indirect.gather [hbm4b:s2+s9], $0x1, s1, s9, $0xb8;
	[tilespmem:$0x17800] =	vst v63  }
0x32: {  	s1 =	simm.s32 $0x400;
	s31 =	simm.s32 $0x2000  }
0x33: {  	[tilespmem:s31], [sflag:$0x1] =	stream.indirect.gather [hbm4b:s2+s9], $0x1, s1, s9, $0xb8;
	[tilespmem:$0x17800] =	vst v63  }
0x34: {  	s1 =	simm.s32 $0x480;
	s31 =	simm.s32 $0x2080  }
0x35: {  	[tilespmem:s31], [sflag:$0x1] =	stream.indirect.gather [hbm4b:s2+s9], $0x1, s1, s9, $0xb8;
	[tilespmem:$0x17800] =	vst v63  }
0x36: {  	_ =	swait.ge [sflag:s18], $0x80  }
0x37: {  	[sflag:s18] =	ssyncset.done $0x0  }
0x38: {  	[sflag:s18] =	ssyncadd.s32 $0xFFFFFF80  }
0x39: {  	_ =	swait.ge [sflag:s18], $0x80  }
0x3a: {  	[sflag:s18] =	ssyncset.done $0x0  }
0x3b: {  	[sflag:s18] =	ssyncadd.s32 $0xFFFFFF80  }
0x3c: {  	_ =	swait.ge [sflag:s18], $0x80  }
0x3d: {  	[sflag:s18] =	ssyncset.done $0x0  }
0x3e: {  	[sflag:s18] =	ssyncadd.s32 $0xFFFFFF80  }
0x3f: {  	_ =	swait.ge [sflag:s18], $0x80  }
0x40: {  	[sflag:s18] =	ssyncset.done $0x0  }
0x41: {  	[sflag:s18] =	ssyncadd.s32 $0xFFFFFF80  }
0x42: {  	_ =	swait.ge [sflag:s18], $0x80  }
0x43: {  	[sflag:s18] =	ssyncset.done $0x0  }
0x44: {  	s1 =	simm.s32 $0x500;
	s31 =	simm.s32 $0x2100;
	[sflag:s18] =	ssyncadd.s32 $0xFFFFFF80  }
0x45: {  	[tilespmem:s31], [sflag:$0x1] =	stream.indirect.gather [hbm4b:s2+s9], $0x1, s1, s9, $0xb8;
	[tilespmem:$0x17800] =	vst v63  }
0x46: {  	s1 =	simm.s32 $0x580;
	s31 =	simm.s32 $0x2180  }
0x47: {  	[tilespmem:s31], [sflag:$0x1] =	stream.indirect.gather [hbm4b:s2+s9], $0x1, s1, s9, $0xb8;
	[tilespmem:$0x17800] =	vst v63  }
0x48: {  	s1 =	simm.s32 $0x600;
	s31 =	simm.s32 $0x2200  }
0x49: {  	[tilespmem:s31], [sflag:$0x1] =	stream.indirect.gather [hbm4b:s2+s9], $0x1, s1, s9, $0xb8;
	[tilespmem:$0x17800] =	vst v63  }
0x4a: {  	s1 =	simm.s32 $0x680;
	s31 =	simm.s32 $0x2280  }
0x4b: {  	[tilespmem:s31], [sflag:$0x1] =	stream.indirect.gather [hbm4b:s2+s9], $0x1, s1, s9, $0xb8;
	[tilespmem:$0x17800] =	vst v63  }
0x4c: {  	s1 =	simm.s32 $0x700;
	s31 =	simm.s32 $0x2300  }
0x4d: {  	[tilespmem:s31], [sflag:$0x1] =	stream.indirect.gather [hbm4b:s2+s9], $0x1, s1, s9, $0xb8;
	[tilespmem:$0x17800] =	vst v63  }
0x4e: {  	_ =	swait.ge [sflag:s18], $0x80  }
0x4f: {  	[sflag:s18] =	ssyncset.done $0x0  }
0x50: {  	[sflag:s18] =	ssyncadd.s32 $0xFFFFFF80  }
0x51: {  	_ =	swait.ge [sflag:s18], $0x80  }
0x52: {  	[sflag:s18] =	ssyncset.done $0x0  }
0x53: {  	[sflag:s18] =	ssyncadd.s32 $0xFFFFFF80  }
0x54: {  	_ =	swait.ge [sflag:s18], $0x80  }
0x55: {  	[sflag:s18] =	ssyncset.done $0x0  }
0x56: {  	[sflag:s18] =	ssyncadd.s32 $0xFFFFFF80  }
0x57: {  	_ =	swait.ge [sflag:s18], $0x80  }
0x58: {  	[sflag:s18] =	ssyncset.done $0x0  }
0x59: {  	[sflag:s18] =	ssyncadd.s32 $0xFFFFFF80  }
0x5a: {  	_ =	swait.ge [sflag:s18], $0x80  }
0x5b: {  	[sflag:s18] =	ssyncset.done $0x0  }
0x5c: {  	s1 =	simm.s32 $0x780;
	s31 =	simm.s32 $0x2380;
	[sflag:s18] =	ssyncadd.s32 $0xFFFFFF80  }
0x5d: {  	[tilespmem:s31], [sflag:$0x1] =	stream.indirect.gather [hbm4b:s2+s9], $0x1, s1, s9, $0xb8;
	[tilespmem:$0x17800] =	vst v63  }
0x5e: {  	s1 =	simm.s32 $0x800;
	s31 =	simm.s32 $0x2400  }
0x5f: {  	[tilespmem:s31], [sflag:$0x1] =	stream.indirect.gather [hbm4b:s2+s9], $0x1, s1, s9, $0xb8;
	[tilespmem:$0x17800] =	vst v63  }
0x60: {  	s1 =	simm.s32 $0x880;
	s31 =	simm.s32 $0x2480  }
0x61: {  	[tilespmem:s31], [sflag:$0x1] =	stream.indirect.gather [hbm4b:s2+s9], $0x1, s1, s9, $0xb8;
	[tilespmem:$0x17800] =	vst v63  }
0x62: {  	s1 =	simm.s32 $0x900;
	s31 =	simm.s32 $0x2500  }
0x63: {  	[tilespmem:s31], [sflag:$0x1] =	stream.indirect.gather [hbm4b:s2+s9], $0x1, s1, s9, $0xb8;
	[tilespmem:$0x17800] =	vst v63  }
0x64: {  	s1 =	simm.s32 $0x980;
	s31 =	simm.s32 $0x2580  }
0x65: {  	[tilespmem:s31], [sflag:$0x1] =	stream.indirect.gather [hbm4b:s2+s9], $0x1, s1, s9, $0xb8;
	[tilespmem:$0x17800] =	vst v63  }
0x66: {  	_ =	swait.ge [sflag:s18], $0x80  }
0x67: {  	[sflag:s18] =	ssyncset.done $0x0  }
0x68: {  	[sflag:s18] =	ssyncadd.s32 $0xFFFFFF80  }
0x69: {  	_ =	swait.ge [sflag:s18], $0x80  }
0x6a: {  	[sflag:s18] =	ssyncset.done $0x0  }
0x6b: {  	[sflag:s18] =	ssyncadd.s32 $0xFFFFFF80  }
0x6c: {  	_ =	swait.ge [sflag:s18], $0x80  }
0x6d: {  	[sflag:s18] =	ssyncset.done $0x0  }
0x6e: {  	[sflag:s18] =	ssyncadd.s32 $0xFFFFFF80  }
0x6f: {  	_ =	swait.ge [sflag:s18], $0x80  }
0x70: {  	[sflag:s18] =	ssyncset.done $0x0  }
0x71: {  	[sflag:s18] =	ssyncadd.s32 $0xFFFFFF80  }
0x72: {  	_ =	swait.ge [sflag:s18], $0x80  }
0x73: {  	[sflag:s18] =	ssyncset.done $0x0  }
0x74: {  	s1 =	simm.s32 $0xA00;
	s31 =	simm.s32 $0x2600;
	[sflag:s18] =	ssyncadd.s32 $0xFFFFFF80  }
0x75: {  	[tilespmem:s31], [sflag:$0x1] =	stream.indirect.gather [hbm4b:s2+s9], $0x1, s1, s9, $0xb8;
	[tilespmem:$0x17800] =	vst v63  }
0x76: {  	s1 =	simm.s32 $0xA80;
	s31 =	simm.s32 $0x2680  }
0x77: {  	[tilespmem:s31], [sflag:$0x1] =	stream.indirect.gather [hbm4b:s2+s9], $0x1, s1, s9, $0xb8;
	[tilespmem:$0x17800] =	vst v63  }
0x78: {  	s1 =	simm.s32 $0xB00;
	s31 =	simm.s32 $0x2700  }
0x79: {  	[tilespmem:s31], [sflag:$0x1] =	stream.indirect.gather [hbm4b:s2+s9], $0x1, s1, s9, $0xb8;
	[tilespmem:$0x17800] =	vst v63  }
0x7a: {  	s1 =	simm.s32 $0xB80;
	s31 =	simm.s32 $0x2780  }
0x7b: {  	[tilespmem:s31], [sflag:$0x1] =	stream.indirect.gather [hbm4b:s2+s9], $0x1, s1, s9, $0xb8;
	[tilespmem:$0x17800] =	vst v63  }
0x7c: {  	s1 =	simm.s32 $0xC00;
	s31 =	simm.s32 $0x2800  }
0x7d: {  	[tilespmem:s31], [sflag:$0x1] =	stream.indirect.gather [hbm4b:s2+s9], $0x1, s1, s9, $0xb8;
	[tilespmem:$0x17800] =	vst v63  }
0x7e: {  	_ =	swait.ge [sflag:s18], $0x80  }
0x7f: {  	[sflag:s18] =	ssyncset.done $0x0  }
0x80: {  	[sflag:s18] =	ssyncadd.s32 $0xFFFFFF80  }
0x81: {  	_ =	swait.ge [sflag:s18], $0x80  }
0x82: {  	[sflag:s18] =	ssyncset.done $0x0  }
0x83: {  	[sflag:s18] =	ssyncadd.s32 $0xFFFFFF80  }
0x84: {  	_ =	swait.ge [sflag:s18], $0x80  }
0x85: {  	[sflag:s18] =	ssyncset.done $0x0  }
0x86: {  	[sflag:s18] =	ssyncadd.s32 $0xFFFFFF80  }
0x87: {  	_ =	swait.ge [sflag:s18], $0x80  }
0x88: {  	[sflag:s18] =	ssyncset.done $0x0  }
0x89: {  	[sflag:s18] =	ssyncadd.s32 $0xFFFFFF80  }
0x8a: {  	_ =	swait.ge [sflag:s18], $0x80  }
0x8b: {  	[sflag:s18] =	ssyncset.done $0x0  }
0x8c: {  	s1 =	simm.s32 $0xC80;
	s31 =	simm.s32 $0x2880;
	[sflag:s18] =	ssyncadd.s32 $0xFFFFFF80  }
0x8d: {  	[tilespmem:s31], [sflag:$0x1] =	stream.indirect.gather [hbm4b:s2+s9], $0x1, s1, s9, $0xb8;
	[tilespmem:$0x17800] =	vst v63  }
0x8e: {  	s1 =	simm.s32 $0xD00;
	s31 =	simm.s32 $0x2900  }
0x8f: {  	[tilespmem:s31], [sflag:$0x1] =	stream.indirect.gather [hbm4b:s2+s9], $0x1, s1, s9, $0xb8;
	[tilespmem:$0x17800] =	vst v63  }
0x90: {  	s1 =	simm.s32 $0xD80;
	s31 =	simm.s32 $0x2980  }
0x91: {  	[tilespmem:s31], [sflag:$0x1] =	stream.indirect.gather [hbm4b:s2+s9], $0x1, s1, s9, $0xb8;
	[tilespmem:$0x17800] =	vst v63  }
0x92: {  	s1 =	simm.s32 $0xE00;
	s31 =	simm.s32 $0x2A00  }
0x93: {  	[tilespmem:s31], [sflag:$0x1] =	stream.indirect.gather [hbm4b:s2+s9], $0x1, s1, s9, $0xb8;
	[tilespmem:$0x17800] =	vst v63  }
0x94: {  	s1 =	simm.s32 $0xE80;
	s31 =	simm.s32 $0x2A80  }
0x95: {  	[tilespmem:s31], [sflag:$0x1] =	stream.indirect.gather [hbm4b:s2+s9], $0x1, s1, s9, $0xb8;
	[tilespmem:$0x17800] =	vst v63  }
0x96: {  	_ =	swait.ge [sflag:s18], $0x80  }
0x97: {  	[sflag:s18] =	ssyncset.done $0x0  }
0x98: {  	[sflag:s18] =	ssyncadd.s32 $0xFFFFFF80  }
0x99: {  	_ =	swait.ge [sflag:s18], $0x80  }
0x9a: {  	[sflag:s18] =	ssyncset.done $0x0  }
0x9b: {  	[sflag:s18] =	ssyncadd.s32 $0xFFFFFF80  }
0x9c: {  	_ =	swait.ge [sflag:s18], $0x80  }
0x9d: {  	[sflag:s18] =	ssyncset.done $0x0  }
0x9e: {  	[sflag:s18] =	ssyncadd.s32 $0xFFFFFF80  }
0x9f: {  	_ =	swait.ge [sflag:s18], $0x80  }
0xa0: {  	[sflag:s18] =	ssyncset.done $0x0  }
0xa1: {  	[sflag:s18] =	ssyncadd.s32 $0xFFFFFF80  }
0xa2: {  	_ =	swait.ge [sflag:s18], $0x80  }
0xa3: {  	[sflag:s18] =	ssyncset.done $0x0  }
0xa4: {  	s1 =	simm.s32 $0xF00;
	s31 =	simm.s32 $0x2B00;
	[sflag:s18] =	ssyncadd.s32 $0xFFFFFF80  }
0xa5: {  	[tilespmem:s31], [sflag:$0x1] =	stream.indirect.gather [hbm4b:s2+s9], $0x1, s1, s9, $0xb8;
	[tilespmem:$0x17800] =	vst v63  }
0xa6: {  	s1 =	simm.s32 $0xF80;
	s31 =	simm.s32 $0x2B80  }
0xa7: {  	[tilespmem:s31], [sflag:$0x1] =	stream.indirect.gather [hbm4b:s2+s9], $0x1, s1, s9, $0xb8;
	[tilespmem:$0x17800] =	vst v63  }
0xa8: {  	s1 =	simm.s32 $0x1000;
	s31 =	simm.s32 $0x2C00  }
0xa9: {  	[tilespmem:s31], [sflag:$0x1] =	stream.indirect.gather [hbm4b:s2+s9], $0x1, s1, s9, $0xb8;
	[tilespmem:$0x17800] =	vst v63  }
0xaa: {  	s1 =	simm.s32 $0x1080;
	s31 =	simm.s32 $0x2C80  }
0xab: {  	[tilespmem:s31], [sflag:$0x1] =	stream.indirect.gather [hbm4b:s2+s9], $0x1, s1, s9, $0xb8;
	[tilespmem:$0x17800] =	vst v63  }
0xac: {  	s1 =	simm.s32 $0x1100;
	s31 =	simm.s32 $0x2D00  }
0xad: {  	[tilespmem:s31], [sflag:$0x1] =	stream.indirect.gather [hbm4b:s2+s9], $0x1, s1, s9, $0xb8;
	[tilespmem:$0x17800] =	vst v63  }
0xae: {  	_ =	swait.ge [sflag:s18], $0x80  }
0xaf: {  	[sflag:s18] =	ssyncset.done $0x0  }
0xb0: {  	[sflag:s18] =	ssyncadd.s32 $0xFFFFFF80  }
0xb1: {  	_ =	swait.ge [sflag:s18], $0x80  }
0xb2: {  	[sflag:s18] =	ssyncset.done $0x0  }
0xb3: {  	[sflag:s18] =	ssyncadd.s32 $0xFFFFFF80  }
0xb4: {  	_ =	swait.ge [sflag:s18], $0x80  }
0xb5: {  	[sflag:s18] =	ssyncset.done $0x0  }
0xb6: {  	[sflag:s18] =	ssyncadd.s32 $0xFFFFFF80  }
0xb7: {  	_ =	swait.ge [sflag:s18], $0x80  }
0xb8: {  	[sflag:s18] =	ssyncset.done $0x0  }
0xb9: {  	[sflag:s18] =	ssyncadd.s32 $0xFFFFFF80  }
0xba: {  	_ =	swait.ge [sflag:s18], $0x80  }
0xbb: {  	[sflag:s18] =	ssyncset.done $0x0  }
0xbc: {  	s1 =	simm.s32 $0x1180;
	s31 =	simm.s32 $0x2D80;
	[sflag:s18] =	ssyncadd.s32 $0xFFFFFF80  }
0xbd: {  	[tilespmem:s31], [sflag:$0x1] =	stream.indirect.gather [hbm4b:s2+s9], $0x1, s1, s9, $0xb8;
	[tilespmem:$0x17800] =	vst v63  }
0xbe: {  	s1 =	simm.s32 $0x1200;
	s31 =	simm.s32 $0x2E00  }
0xbf: {  	[tilespmem:s31], [sflag:$0x1] =	stream.indirect.gather [hbm4b:s2+s9], $0x1, s1, s9, $0xb8;
	[tilespmem:$0x17800] =	vst v63  }
0xc0: {  	s1 =	simm.s32 $0x1280;
	s31 =	simm.s32 $0x2E80  }
0xc1: {  	[tilespmem:s31], [sflag:$0x1] =	stream.indirect.gather [hbm4b:s2+s9], $0x1, s1, s9, $0xb8;
	[tilespmem:$0x17800] =	vst v63  }
0xc2: {  	s1 =	simm.s32 $0x1300;
	s31 =	simm.s32 $0x2F00  }
0xc3: {  	[tilespmem:s31], [sflag:$0x1] =	stream.indirect.gather [hbm4b:s2+s9], $0x1, s1, s9, $0xb8;
	[tilespmem:$0x17800] =	vst v63  }
0xc4: {  	s1 =	simm.s32 $0x1380;
	s31 =	simm.s32 $0x2F80  }
0xc5: {  	[tilespmem:s31], [sflag:$0x1] =	stream.indirect.gather [hbm4b:s2+s9], $0x1, s1, s9, $0xb8;
	[tilespmem:$0x17800] =	vst v63  }
0xc6: {  	_ =	swait.ge [sflag:s18], $0x80  }
0xc7: {  	[sflag:s18] =	ssyncset.done $0x0  }
0xc8: {  	[sflag:s18] =	ssyncadd.s32 $0xFFFFFF80  }
0xc9: {  	_ =	swait.ge [sflag:s18], $0x80  }
0xca: {  	[sflag:s18] =	ssyncset.done $0x0  }
0xcb: {  	[sflag:s18] =	ssyncadd.s32 $0xFFFFFF80  }
0xcc: {  	_ =	swait.ge [sflag:s18], $0x80  }
0xcd: {  	[sflag:s18] =	ssyncset.done $0x0  }
0xce: {  	[sflag:s18] =	ssyncadd.s32 $0xFFFFFF80  }
0xcf: {  	_ =	swait.ge [sflag:s18], $0x80  }
0xd0: {  	[sflag:s18] =	ssyncset.done $0x0  }
0xd1: {  	[sflag:s18] =	ssyncadd.s32 $0xFFFFFF80  }
0xd2: {  	_ =	swait.ge [sflag:s18], $0x80  }
0xd3: {  	[sflag:s18] =	ssyncset.done $0x0  }
0xd4: {  	s1 =	simm.s32 $0x1400;
	s31 =	simm.s32 $0x3000;
	[sflag:s18] =	ssyncadd.s32 $0xFFFFFF80  }
0xd5: {  	[tilespmem:s31], [sflag:$0x1] =	stream.indirect.gather [hbm4b:s2+s9], $0x1, s1, s9, $0xb8;
	[tilespmem:$0x17800] =	vst v63  }
0xd6: {  	s1 =	simm.s32 $0x1480;
	s31 =	simm.s32 $0x3080  }
0xd7: {  	[tilespmem:s31], [sflag:$0x1] =	stream.indirect.gather [hbm4b:s2+s9], $0x1, s1, s9, $0xb8;
	[tilespmem:$0x17800] =	vst v63  }
0xd8: {  	s1 =	simm.s32 $0x1500;
	s31 =	simm.s32 $0x3100  }
0xd9: {  	[tilespmem:s31], [sflag:$0x1] =	stream.indirect.gather [hbm4b:s2+s9], $0x1, s1, s9, $0xb8;
	[tilespmem:$0x17800] =	vst v63  }
0xda: {  	s1 =	simm.s32 $0x1580;
	s31 =	simm.s32 $0x3180  }
0xdb: {  	[tilespmem:s31], [sflag:$0x1] =	stream.indirect.gather [hbm4b:s2+s9], $0x1, s1, s9, $0xb8;
	[tilespmem:$0x17800] =	vst v63  }
0xdc: {  	s1 =	simm.s32 $0x1600;
	s31 =	simm.s32 $0x3200  }
0xdd: {  	[tilespmem:s31], [sflag:$0x1] =	stream.indirect.gather [hbm4b:s2+s9], $0x1, s1, s9, $0xb8;
	[tilespmem:$0x17800] =	vst v63  }
0xde: {  	_ =	swait.ge [sflag:s18], $0x80  }
0xdf: {  	[sflag:s18] =	ssyncset.done $0x0  }
0xe0: {  	[sflag:s18] =	ssyncadd.s32 $0xFFFFFF80  }
0xe1: {  	_ =	swait.ge [sflag:s18], $0x80  }
0xe2: {  	[sflag:s18] =	ssyncset.done $0x0  }
0xe3: {  	[sflag:s18] =	ssyncadd.s32 $0xFFFFFF80  }
0xe4: {  	_ =	swait.ge [sflag:s18], $0x80  }
0xe5: {  	[sflag:s18] =	ssyncset.done $0x0  }
0xe6: {  	[sflag:s18] =	ssyncadd.s32 $0xFFFFFF80  }
0xe7: {  	_ =	swait.ge [sflag:s18], $0x80  }
0xe8: {  	[sflag:s18] =	ssyncset.done $0x0  }
0xe9: {  	[sflag:s18] =	ssyncadd.s32 $0xFFFFFF80  }
0xea: {  	_ =	swait.ge [sflag:s18], $0x80  }
0xeb: {  	[sflag:s18] =	ssyncset.done $0x0  }
0xec: {  	[sflag:s18] =	ssyncadd.s32 $0xFFFFFF80  }
0xed: {  	[tilespmem:s11], [sflag:$0x1] =	stream.indirect.gather [hbm4b:s2+s9], $0x1, s10, s9, $0xb8;
	[tilespmem:$0x17800] =	vst v63  }
0xee: {  	_ = 	snop  }
0xef: {  	[tilespmem:s13], [sflag:$0x1] =	stream.indirect.gather [hbm4b:s2+s9], $0x1, s12, s9, $0xb8;
	[tilespmem:$0x17800] =	vst v63  }
0xf0: {  	_ = 	snop  }
0xf1: {  	[tilespmem:s15], [sflag:$0x1] =	stream.indirect.gather [hbm4b:s2+s9], $0x1, s14, s9, $0xb8;
	[tilespmem:$0x17800] =	vst v63  }
0xf2: {  	_ = 	snop  }
0xf3: {  	[tilespmem:s17], [sflag:$0x1] =	stream.indirect.gather [hbm4b:s2+s9], $0x1, s16, s9, $0xb8;
	[tilespmem:$0x17800] =	vst v63  }
0xf4: {  	_ = 	snop  }
0xf5: {  	[tilespmem:s20], [sflag:$0x1] =	stream.indirect.gather [hbm4b:s2+s9], $0x1, s19, s9, $0xb8;
	[tilespmem:$0x17800] =	vst v63  }
0xf6: {  	_ =	swait.ge [sflag:s18], $0x80  }
0xf7: {  	[sflag:s18] =	ssyncset.done $0x0  }
0xf8: {  	[sflag:s18] =	ssyncadd.s32 $0xFFFFFF80  }
0xf9: {  	_ =	swait.ge [sflag:s18], $0x80  }
0xfa: {  	[sflag:s18] =	ssyncset.done $0x0  }
0xfb: {  	[sflag:s18] =	ssyncadd.s32 $0xFFFFFF80  }
0xfc: {  	_ =	swait.ge [sflag:s18], $0x80  }
0xfd: {  	[sflag:s18] =	ssyncset.done $0x0  }
0xfe: {  	[sflag:s18] =	ssyncadd.s32 $0xFFFFFF80  }
0xff: {  	_ =	swait.ge [sflag:s18], $0x80  }
0x100: {  	[sflag:s18] =	ssyncset.done $0x0  }
0x101: {  	[sflag:s18] =	ssyncadd.s32 $0xFFFFFF80  }
0x102: {  	_ =	swait.ge [sflag:s18], $0x80  }
0x103: {  	[sflag:s18] =	ssyncset.done $0x0  }
0x104: {  	s28 =	simm.s32 $0x1C00;
	[sflag:s18] =	ssyncadd.s32 $0xFFFFFF80  }
0x105: {  	[tilespmem:s21], [sflag:$0x1] =	stream.indirect.gather [hbm4b:s4+s9], $0x80, s28, s9, $0xb8;
	[tilespmem:$0x17800] =	vst v63  }
0x106: {  	s28 =	simm.s32 $0x1C80  }
0x107: {  	[tilespmem:s22], [sflag:$0x1] =	stream.indirect.gather [hbm4b:s4+s9], $0x80, s28, s9, $0xb8;
	[tilespmem:$0x17800] =	vst v63  }
0x108: {  	s28 =	simm.s32 $0x1D00  }
0x109: {  	[tilespmem:s23], [sflag:$0x1] =	stream.indirect.gather [hbm4b:s4+s9], $0x80, s28, s9, $0xb8;
	[tilespmem:$0x17800] =	vst v63  }
0x10a: {  	s28 =	simm.s32 $0x1D80  }
0x10b: {  	[tilespmem:s24], [sflag:$0x1] =	stream.indirect.gather [hbm4b:s4+s9], $0x80, s28, s9, $0xb8;
	[tilespmem:$0x17800] =	vst v63  }
0x10c: {  	s28 =	simm.s32 $0x1E00  }
0x10d: {  	[tilespmem:s25], [sflag:$0x1] =	stream.indirect.gather [hbm4b:s4+s9], $0x80, s28, s9, $0xb8;
	[tilespmem:$0x17800] =	vst v63  }
0x10e: {  	_ =	swait.ge [sflag:s18], $0x4000  }
0x10f: {  	[sflag:s18] =	ssyncset.done $0x0  }
0x110: {  	[sflag:s18] =	ssyncadd.s32 $0xFFFFC000  }
0x111: {  	_ =	swait.ge [sflag:s18], $0x4000  }
0x112: {  	[sflag:s18] =	ssyncset.done $0x0  }
0x113: {  	[sflag:s18] =	ssyncadd.s32 $0xFFFFC000  }
0x114: {  	_ =	swait.ge [sflag:s18], $0x4000  }
0x115: {  	[sflag:s18] =	ssyncset.done $0x0  }
0x116: {  	[sflag:s18] =	ssyncadd.s32 $0xFFFFC000  }
0x117: {  	_ =	swait.ge [sflag:s18], $0x4000  }
0x118: {  	[sflag:s18] =	ssyncset.done $0x0  }
0x119: {  	[sflag:s18] =	ssyncadd.s32 $0xFFFFC000  }
0x11a: {  	_ =	swait.ge [sflag:s18], $0x4000  }
0x11b: {  	[sflag:s18] =	ssyncset.done $0x0  }
0x11c: {  	[sflag:s18] =	ssyncadd.s32 $0xFFFFC000  }
0x11d: {  	[hbm4b:s7+s3] =	stream.linear.scatter [tilespmem:s21], [sflag:$0x2], $0x14000, $0x38;
	[tilespmem:$0x17800] =	vst v63  }
0x11e: {  	s30 =	simm.s32 $0x1400;
	_ =	swait.ge [sflag:s8], $0x14000  }
0x11f: {  	s29 =	simm.s32 $0x280;
	s28 =	sadd.s32 $0x2800, s7;
	[sflag:s8] =	ssyncset.done $0x0  }
.LBB2_2:
0x120: {  	s31 =	sadd.s32 $0x1C00, s29  }
0x121: {  	[sflag:s8] =	ssyncadd.s32 $0xFFFEC000;
	s0 =	smov.u32 s30;
	s1 =	sadd.s32 $0xA00, s30  }
0x122: {  	[tilespmem:s21], [sflag:$0x1] =	stream.indirect.gather [hbm4b:s4+s9], $0x80, s31, s9, $0xb8;
	[tilespmem:$0x17800] =	vst v63  }
0x123: {  	p0 =	sne.s32 s30, $0x5A00;
	s30 =	sadd.s32 $0x1C80, s29  }
0x124: {  	[tilespmem:s22], [sflag:$0x1] =	stream.indirect.gather [hbm4b:s4+s9], $0x80, s30, s9, $0xb8;
	[tilespmem:$0x17800] =	vst v63  }
0x125: {  	s30 =	sadd.s32 $0x1D00, s29  }
0x126: {  	[tilespmem:s23], [sflag:$0x1] =	stream.indirect.gather [hbm4b:s4+s9], $0x80, s30, s9, $0xb8;
	[tilespmem:$0x17800] =	vst v63  }
0x127: {  	s30 =	sadd.s32 $0x1D80, s29  }
0x128: {  	[tilespmem:s24], [sflag:$0x1] =	stream.indirect.gather [hbm4b:s4+s9], $0x80, s30, s9, $0xb8;
	[tilespmem:$0x17800] =	vst v63  }
0x129: {  	s29 =	sadd.s32 $0x1E00, s29  }
0x12a: {  	[tilespmem:s25], [sflag:$0x1] =	stream.indirect.gather [hbm4b:s4+s9], $0x80, s29, s9, $0xb8;
	[tilespmem:$0x17800] =	vst v63  }
0x12b: {  	_ =	swait.ge [sflag:s18], $0x4000  }
0x12c: {  	[sflag:s18] =	ssyncset.done $0x0  }
0x12d: {  	[sflag:s18] =	ssyncadd.s32 $0xFFFFC000  }
0x12e: {  	_ =	swait.ge [sflag:s18], $0x4000  }
0x12f: {  	[sflag:s18] =	ssyncset.done $0x0  }
0x130: {  	[sflag:s18] =	ssyncadd.s32 $0xFFFFC000  }
0x131: {  	_ =	swait.ge [sflag:s18], $0x4000  }
0x132: {  	[sflag:s18] =	ssyncset.done $0x0  }
0x133: {  	[sflag:s18] =	ssyncadd.s32 $0xFFFFC000  }
0x134: {  	_ =	swait.ge [sflag:s18], $0x4000  }
0x135: {  	[sflag:s18] =	ssyncset.done $0x0  }
0x136: {  	[sflag:s18] =	ssyncadd.s32 $0xFFFFC000  }
0x137: {  	_ =	swait.ge [sflag:s18], $0x4000  }
.Ltmp0:
0x138: {  	[sflag:s18] =	ssyncset.done $0x0;
	(pc) =	sbr.rel @p0 .LBB2_2-.Ltmp0, $4  }
0x139: {  	[sflag:s18] =	ssyncadd.s32 $0xFFFFC000  }
0x13a: {  	[hbm4b:s28+s3] =	stream.linear.scatter [tilespmem:s21], [sflag:$0x2], $0x14000, $0x38;
	[tilespmem:$0x17800] =	vst v63  }
0x13b: {  	s30 =	smov.u32 s1;
	_ =	swait.ge [sflag:s8], $0x14000  }
0x13c: {  	s29 =	sshra.s32 s0, $0x2;
	s28 =	sadd.s32 $0x2800, s28;
	[sflag:s8] =	ssyncset.done $0x0  }
0x13d: {  	s0 =	sadd.s32 $0x1C00, s29;
	[sflag:s8] =	ssyncadd.s32 $0xFFFEC000  }
0x13e: {  	[tilespmem:s21], [sflag:$0x1] =	stream.indirect.gather [hbm4b:s4+s9], $0x80, s0, s9, $0xb8;
	[tilespmem:$0x17800] =	vst v63  }
0x13f: {  	s31 =	sadd.s32 $0x1C80, s29  }
0x140: {  	[tilespmem:s22], [sflag:$0x1] =	stream.indirect.gather [hbm4b:s4+s9], $0x80, s31, s9, $0xb8;
	[tilespmem:$0x17800] =	vst v63  }
0x141: {  	s1 =	sadd.s32 $0x1D00, s29  }
0x142: {  	[tilespmem:s23], [sflag:$0x1] =	stream.indirect.gather [hbm4b:s4+s9], $0x80, s1, s9, $0xb8;
	[tilespmem:$0x17800] =	vst v63  }
0x143: {  	s30 =	sadd.s32 $0x1D80, s29  }
0x144: {  	[tilespmem:s24], [sflag:$0x1] =	stream.indirect.gather [hbm4b:s4+s9], $0x80, s30, s9, $0xb8;
	[tilespmem:$0x17800] =	vst v63  }
0x145: {  	s31 =	sadd.s32 $0x1E00, s29  }
0x146: {  	[tilespmem:s25], [sflag:$0x1] =	stream.indirect.gather [hbm4b:s4+s9], $0x80, s31, s9, $0xb8;
	[tilespmem:$0x17800] =	vst v63  }
0x147: {  	_ =	swait.ge [sflag:s18], $0x4000  }
0x148: {  	[sflag:s18] =	ssyncset.done $0x0  }
0x149: {  	[sflag:s18] =	ssyncadd.s32 $0xFFFFC000  }
0x14a: {  	_ =	swait.ge [sflag:s18], $0x4000  }
0x14b: {  	[sflag:s18] =	ssyncset.done $0x0  }
0x14c: {  	[sflag:s18] =	ssyncadd.s32 $0xFFFFC000  }
0x14d: {  	_ =	swait.ge [sflag:s18], $0x4000  }
0x14e: {  	[sflag:s18] =	ssyncset.done $0x0  }
0x14f: {  	[sflag:s18] =	ssyncadd.s32 $0xFFFFC000  }
0x150: {  	_ =	swait.ge [sflag:s18], $0x4000  }
0x151: {  	[sflag:s18] =	ssyncset.done $0x0  }
0x152: {  	[sflag:s18] =	ssyncadd.s32 $0xFFFFC000  }
0x153: {  	s26 =	sadd.s32 $0x1, s26;
	_ =	swait.ge [sflag:s18], $0x4000  }
0x154: {  	p0 =	sne.s32 s26, s6;
	[sflag:s18] =	ssyncset.done $0x0  }
.Ltmp1:
0x155: {  	[sflag:s18] =	ssyncadd.s32 $0xFFFFC000;
	(pc) =	sbr.rel @p0 .LBB2_1-.Ltmp1, $4  }
0x156: {  	[hbm4b:s28+s3] =	stream.linear.scatter [tilespmem:s21], [sflag:$0x2], $0x14000, $0x38;
	[tilespmem:$0x17800] =	vst v63  }
0x157: {  	_ =	swait.ge [sflag:s8], $0x14000  }
0x158: {  	[sflag:s8] =	ssyncset.done $0x0  }
0x159: {  	[sflag:s8] =	ssyncadd.s32 $0xFFFEC000  }
0x15a: {  	_ =	sfence.sel $0x180000  }
0x15b: {  	[bflag:$0x0] =	sbarrier.arrive $0xFFFF  }
0x15c: {  	_ =	strace $0x90000047  }
0x15d: {  	s0 =	stileid.u32;
	[bflag:$0x2] =	sbarrier.arrive $0xFFFF  }
0x15e: {  	p0 =	sne.s32 s0, $0x0;
	s0 =	rddreg [dreg:$0x3]  }
0x15f: {  	s0 =	sadd.s32 @!p0 $0x100000, s0  }
0x160: {  	[sflag:s0] =	ssyncadd.tile.s32 @!p0 $0x1;
	_ =	shalt  }
.Lfunc_end2:
_tile_overlayer_lowered:
.L_overlay_start_2:
0x161: {  	(tag) =	ssettag $0x2  }
0x162: {  	s0 =	rddreg [dreg:$0x0];
	s2 =	stileid.u32  }
0x163: {  	s1 =	rddreg [dreg:$0x1];
	p0 =	sne.s32 s2, $0x0  }
0x164: {  	s3 =	rddreg [dreg:$0x2];
	[bflag:$0x3] =	sbarrier.arrive $0xFFFF;
	s2 =	simm.s32 @!p0 $0x1C02  }
0x165: {  	[timem:s3], [sflag:s2] =	dma.local @!p0 [hbm:s0], s1  }
0x166: {  	s0 =	simm.s32 @!p0 $0x2  }
0x167: {  	_ =	swait.ge @!p0 [sflag:s0], s1  }
0x168: {  	s1 =	ssub.s32 @!p0 $0x0, s1;
	[sflag:s0] =	ssyncset.done @!p0 $0x0  }
0x169: {  	[sflag:s0] =	ssyncadd.s32 @!p0 s1  }
0x16a: {  	[bflag:$0x3] =	sbarrier.arrive $0xFFFF  }
0x16b: {  	_ =	shalt  }

</sc_bundles>
